<compile_context>
chip_gen: v7x
topology: tpu7x:2x2x1
jax: 0.10.2.dev20260603
libtpu: 0.0.44.dev20260713+nightly
codegen_flags: <defaults>
</compile_context>

<pallas_src>
import jax
import jax.numpy as jnp
from jax import lax
from jax.experimental import pallas as pl
from jax.experimental.pallas import tpu as pltpu
from jax.experimental.pallas import tpu_sc as plsc

B0, B1, N = 4, 4096, 2048
ROWS = B0 * B1
K = (N - 1) // 2
NW = 32
ROWS_PER_W = ROWS // NW
RB = 16
L = 16
UNROLL = 8
S1 = 8
STRIDE = N // L + 1
FAST_P = 16


def _median_body(x_hbm, out_hbm, x_vmem, x_vmem2, buf_vmem, out_vmem, sem_a,
                 sem_b):
    c = lax.axis_index("c")
    s = lax.axis_index("s")
    wid = s * 2 + c
    row0 = wid * ROWS_PER_W

    kvec = jnp.full((L,), K, jnp.int32)
    zero = jnp.zeros((L,), jnp.int32)
    one = jnp.ones((L,), jnp.int32)
    top_bit = jnp.full((L,), -(2 ** 31), jnp.int32)
    mant_mask = jnp.full((L,), 0x7FFFFFFF, jnp.int32)
    pref_mask = jnp.full((L,), -(2 ** (32 - S1)), jnp.int32)
    nan_vec = jnp.full((L,), jnp.nan, jnp.float32)
    lane = lax.iota(jnp.int32, L)
    lane0 = lane == zero
    lane_base = lane * jnp.full((L,), STRIDE, jnp.int32)

    def key_to_float(key):
        fbits = jnp.where(key < zero, key & mant_mask, ~key)
        return lax.bitcast_convert_type(fbits, jnp.float32)

    def hbm_slice(blk):
        return x_hbm.at[pl.ds((row0 + blk * RB) * N, RB * N)]

    def process_block(blk, xbuf):
        base_row = blk * RB

        def row_body(r, carry):
            off = r * N
            x_vmem = xbuf


            def bit1(_, st):
                prefix, bitv, t, below = st
                cand = prefix | bitv
                nbit = lax.shift_right_logical(bitv, 1)
                t_acc = key_to_float(cand | nbit)
                t_rej = key_to_float(prefix | nbit)

                def chunk(j, cnt):
                    e = off + j * (UNROLL * L)
                    for u in range(UNROLL):
                        v = x_vmem[pl.ds(e + u * L, L)]
                        cnt = cnt + plsc.all_reduce_population_count(v < t)
                    return cnt

                cnt = lax.fori_loop(0, N // (UNROLL * L), chunk, zero)
                acc = cnt <= kvec
                return (jnp.where(acc, cand, prefix), nbit,
                        jnp.where(acc, t_acc, t_rej),
                        jnp.where(acc, cnt, below))

            prefix, bitv, t, below = lax.fori_loop(
                0, S1, bit1, (zero, top_bit, key_to_float(top_bit), zero))
            krem = kvec - below

            for p in range(FAST_P):
                plsc.store_scatter(buf_vmem,
                                   [lane_base + jnp.full((L,), p, jnp.int32)],
                                   nan_vec)

            lo = key_to_float(prefix)
            hi = key_to_float(prefix + jnp.full((L,), 2 ** (32 - S1),
                                                jnp.int32))
            is_top = prefix == pref_mask

            def comp(j, cnt_l):
                vs, ms = [], []
                for u in range(8):
                    e = off + (j * 8 + u) * L
                    v = x_vmem[pl.ds(e, L)]
                    vs.append(v)
                    ms.append(jnp.logical_not(v < lo)
                              & ((v < hi) | is_top))
                idxs = []
                for u in range(8):
                    idxs.append(lane_base + cnt_l)
                    cnt_l = cnt_l + jnp.where(ms[u], one, zero)
                for u in range(8):
                    plsc.store_scatter(buf_vmem, [idxs[u]], vs[u],
                                       mask=ms[u])
                return cnt_l

            cnt_l = lax.fori_loop(0, N // (8 * L), comp, zero)
            maxc = jnp.max(cnt_l)

            def finish_bit(st, cnt):
                prefix, bitv, t = st
                cand = prefix | bitv
                nbit = lax.shift_right_logical(bitv, 1)
                t_acc = key_to_float(cand | nbit)
                t_rej = key_to_float(prefix | nbit)
                acc = cnt <= krem
                return (jnp.where(acc, cand, prefix), nbit,
                        jnp.where(acc, t_acc, t_rej))

            def run_fast(st):
                ws = [plsc.load_gather(
                          buf_vmem,
                          [lane_base + jnp.full((L,), p, jnp.int32)])
                      for p in range(FAST_P)]

                def bit2(_, st):
                    t = st[2]
                    cnt = zero
                    for v in ws:
                        cnt = cnt + plsc.all_reduce_population_count(v < t)
                    return finish_bit(st, cnt)

                return lax.fori_loop(0, 32 - S1, bit2, st)[0]

            def run_slow(st):
                def bit2(_, st):
                    t = st[2]

                    def chunk2(p, cnt):
                        pv = jnp.full((L,), p, jnp.int32)
                        v = plsc.load_gather(buf_vmem, [lane_base + pv])
                        ok = (v < t) & (cnt_l > pv)
                        return cnt + plsc.all_reduce_population_count(ok)

                    cnt = lax.fori_loop(0, maxc, chunk2, zero)
                    return finish_bit(st, cnt)

                return lax.fori_loop(0, 32 - S1, bit2, st)[0]

            prefix = lax.cond(maxc <= FAST_P, run_fast, run_slow,
                              (prefix, bitv, t))
            val = key_to_float(prefix)
            plsc.store_scatter(out_vmem,
                               [jnp.full((L,), base_row + r, jnp.int32)],
                               val, mask=lane0)
            return carry

        lax.fori_loop(0, RB, row_body, 0)

    NBLK = ROWS_PER_W // RB
    pltpu.async_copy(hbm_slice(0), x_vmem, sem_a)

    def pair_body(i, carry):
        blk_a = 2 * i
        pltpu.make_async_copy(hbm_slice(0), x_vmem, sem_a).wait()
        pltpu.async_copy(hbm_slice(blk_a + 1), x_vmem2, sem_b)
        process_block(blk_a, x_vmem)
        pltpu.make_async_copy(hbm_slice(0), x_vmem2, sem_b).wait()
        pltpu.async_copy(hbm_slice(jnp.minimum(blk_a + 2, NBLK - 1)),
                         x_vmem, sem_a)
        process_block(blk_a + 1, x_vmem2)
        return carry

    lax.fori_loop(0, NBLK // 2, pair_body, 0)
    pltpu.make_async_copy(hbm_slice(0), x_vmem, sem_a).wait()
    pltpu.sync_copy(out_vmem, out_hbm.at[pl.ds(row0, ROWS_PER_W)])


def _median_call(xflat):
    return pl.kernel(
        _median_body,
        out_type=jax.ShapeDtypeStruct((ROWS,), jnp.float32),
        mesh=plsc.VectorSubcoreMesh(core_axis_name="c", subcore_axis_name="s"),
        scratch_types=[
            pltpu.VMEM((RB * N,), jnp.float32),
            pltpu.VMEM((RB * N,), jnp.float32),
            pltpu.VMEM((L * STRIDE,), jnp.float32),
            pltpu.VMEM((ROWS_PER_W,), jnp.float32),
            pltpu.SemaphoreType.DMA,
            pltpu.SemaphoreType.DMA,
        ],
        compiler_params=pltpu.CompilerParams(needs_layout_passes=False),
    )(xflat)


@jax.jit
def kernel(x):
    out = _median_call(x.reshape(ROWS * N))
    return out.reshape(B0, B1)

# --- scband reference (transcript-rebuilt; emitter-appended) ---
"""Pipeline reference for scband-median-value-only-model-36386962932116 (READ-ONLY COPY).

The authoritative reference and input builder live on the scoring server;
editing this copy changes nothing except your own understanding.
"""

import jax, jax.numpy as jnp
import numpy as np

DIM = 2
KEEPDIM = False

def setup_inputs(seed: int = 0) -> dict:
    key = jax.random.key(seed)
    x = jax.random.normal(key, (4, 4096, 2048), dtype=jnp.float32)
    return {"x": x}

def reference(x):
    # torch.median(x, dim)[0] returns the LOWER median for even-length dims:
    # sorted value at index (n-1)//2 along the reduction dim.
    n = x.shape[DIM]
    s = jnp.sort(x, axis=DIM)
    out = jnp.take(s, (n - 1) // 2, axis=DIM)
    if KEEPDIM:
        out = jnp.expand_dims(out, axis=DIM)
    return out

if __name__ == "__main__":
    import jax
    _d = setup_inputs()
    print(jax.jit(kernel)(*tuple(_d.values())))

</pallas_src>

<mosaic_0001>
#map = affine_map<(d0, d1) -> (0)>
module attributes {stable_mosaic.version = 14 : i64} {
  func.func @_median_body(%arg0: i32, %arg1: i32, %arg2: memref<33554432xf32, #tpu.memory_space<hbm>>, %arg3: memref<16384xf32, #tpu.memory_space<hbm>>, %arg4: memref<32768xf32, #tpu.memory_space<vmem>>, %arg5: memref<32768xf32, #tpu.memory_space<vmem>>, %arg6: memref<2064xf32, #tpu.memory_space<vmem>>, %arg7: memref<512xf32, #tpu.memory_space<vmem>>, %arg8: memref<!tpu.dma_semaphore, #tpu.memory_space<semaphore_mem>>, %arg9: memref<!tpu.dma_semaphore, #tpu.memory_space<semaphore_mem>>) attributes {dimension_semantics = [#tpu.dimension_semantics<core_parallel>, #tpu.dimension_semantics<subcore_parallel>], iteration_bounds = array<i64: 2, 16>, scalar_prefetch = 0 : i64, scratch_operands = 6 : i64, tpu.core_type = #tpu.core_type<sc_vector_subcore>, window_params = [{transform_indices = #map}, {transform_indices = #map}]} {
    %mul3A = arith.constant 2 : i32
    %mul3A_0 = arith.muli %arg1, %mul3A : i32
    %add3A = arith.addi %mul3A_0, %arg0 : i32
    %mul3A_1 = arith.constant 512 : i32
    %mul3A_2 = arith.muli %add3A, %mul3A_1 : i32
    %broadcast_in_dim3A = arith.constant 1023 : i32
    %broadcast_in_dim3A_3 = vector.broadcast %broadcast_in_dim3A : i32 to vector<16xi32>
    %broadcast_in_dim3A_4 = arith.constant 0 : i32
    %broadcast_in_dim3A_5 = vector.broadcast %broadcast_in_dim3A_4 : i32 to vector<16xi32>
    %broadcast_in_dim3A_6 = arith.constant 1 : i32
    %broadcast_in_dim3A_7 = vector.broadcast %broadcast_in_dim3A_6 : i32 to vector<16xi32>
    %broadcast_in_dim3A_8 = arith.constant -2147483648 : i32
    %broadcast_in_dim3A_9 = vector.broadcast %broadcast_in_dim3A_8 : i32 to vector<16xi32>
    %broadcast_in_dim3A_10 = arith.constant 2147483647 : i32
    %broadcast_in_dim3A_11 = vector.broadcast %broadcast_in_dim3A_10 : i32 to vector<16xi32>
    %broadcast_in_dim3A_12 = arith.constant -16777216 : i32
    %broadcast_in_dim3A_13 = vector.broadcast %broadcast_in_dim3A_12 : i32 to vector<16xi32>
    %broadcast_in_dim3A_14 = arith.constant 0x7FC00000 : f32
    %broadcast_in_dim3A_15 = vector.broadcast %broadcast_in_dim3A_14 : f32 to vector<16xf32>
    %iota3A = tpu.iota {dimensions = array<i32: 0>} : vector<16xi32>
    %eq3A = arith.cmpi eq, %iota3A, %broadcast_in_dim3A_5 : vector<16xi32>
    %broadcast_in_dim3A_16 = arith.constant 129 : i32
    %broadcast_in_dim3A_17 = vector.broadcast %broadcast_in_dim3A_16 : i32 to vector<16xi32>
    %mul3A_18 = arith.muli %iota3A, %broadcast_in_dim3A_17 : vector<16xi32>
    %add3A_19 = arith.constant 0 : i32
    %add3A_20 = arith.addi %mul3A_2, %add3A_19 : i32
    %mul3A_21 = arith.constant 2048 : i32
    %mul3A_22 = arith.muli %add3A_20, %mul3A_21 : i32
    %dma_start3A = tpu.memref_slice %arg2[%mul3A_22] : memref<33554432xf32, #tpu.memory_space<hbm>> -> memref<32768xf32, #tpu.memory_space<hbm>>
    %dma_start3A_23 = tpu.memref_slice %arg2[%mul3A_22] : memref<33554432xf32, #tpu.memory_space<hbm>> -> memref<32768xf32, #tpu.memory_space<hbm>>
    tpu.enqueue_dma source(%dma_start3A_23 : memref<32768xf32, #tpu.memory_space<hbm>>) target(%arg4 : memref<32768xf32, #tpu.memory_space<vmem>>) target_semaphore(%arg8 : memref<!tpu.dma_semaphore, #tpu.memory_space<semaphore_mem>>)
    %scan3A = arith.constant 0 : i32
    %scan3A_24 = arith.constant 0 : i32
    %scan3A_25 = arith.constant 16 : i32
    %scan3A_26 = arith.addi %scan3A_24, %scan3A_25 : i32
    %scan3A_27 = arith.constant 1 : i32
    scf.for %scan3A_34 = %scan3A_24 to %scan3A_26 step %scan3A_27  : i32 {
      %mul3A_35 = arith.constant 2 : i32
      %mul3A_36 = arith.muli %mul3A_35, %scan3A_34 : i32
      %add3A_37 = arith.constant 0 : i32
      %add3A_38 = arith.addi %mul3A_2, %add3A_37 : i32
      %mul3A_39 = arith.constant 2048 : i32
      %mul3A_40 = arith.muli %add3A_38, %mul3A_39 : i32
      %dma_wait3A_41 = tpu.memref_slice %arg2[%mul3A_40] : memref<33554432xf32, #tpu.memory_space<hbm>> -> memref<32768xf32, #tpu.memory_space<hbm>>
      %dma_wait3A_42 = tpu.memref_slice %arg2[%mul3A_40] : memref<33554432xf32, #tpu.memory_space<hbm>> -> memref<32768xf32, #tpu.memory_space<hbm>>
      tpu.wait_dma2 semaphore(%arg8 : memref<!tpu.dma_semaphore, #tpu.memory_space<semaphore_mem>>) src(%dma_wait3A_42 : memref<32768xf32, #tpu.memory_space<hbm>>) dst(%arg4 : memref<32768xf32, #tpu.memory_space<vmem>>)
      %add3A_43 = arith.constant 1 : i32
      %add3A_44 = arith.addi %mul3A_36, %add3A_43 : i32
      %mul3A_45 = arith.constant 16 : i32
      %mul3A_46 = arith.muli %add3A_44, %mul3A_45 : i32
      %add3A_47 = arith.addi %mul3A_2, %mul3A_46 : i32
      %mul3A_48 = arith.constant 2048 : i32
      %mul3A_49 = arith.muli %add3A_47, %mul3A_48 : i32
      %dma_start3A_50 = tpu.memref_slice %arg2[%mul3A_49] : memref<33554432xf32, #tpu.memory_space<hbm>> -> memref<32768xf32, #tpu.memory_space<hbm>>
      %dma_start3A_51 = tpu.memref_slice %arg2[%mul3A_49] : memref<33554432xf32, #tpu.memory_space<hbm>> -> memref<32768xf32, #tpu.memory_space<hbm>>
      tpu.enqueue_dma source(%dma_start3A_51 : memref<32768xf32, #tpu.memory_space<hbm>>) target(%arg5 : memref<32768xf32, #tpu.memory_space<vmem>>) target_semaphore(%arg9 : memref<!tpu.dma_semaphore, #tpu.memory_space<semaphore_mem>>)
      %mul3A_52 = arith.constant 16 : i32
      %mul3A_53 = arith.muli %mul3A_36, %mul3A_52 : i32
      %scan3A_54 = arith.constant 0 : i32
      %scan3A_55 = arith.constant 0 : i32
      %scan3A_56 = arith.constant 16 : i32
      %scan3A_57 = arith.addi %scan3A_55, %scan3A_56 : i32
      %scan3A_58 = arith.constant 1 : i32
      scf.for %scan3A_86 = %scan3A_55 to %scan3A_57 step %scan3A_58  : i32 {
        %mul3A_87 = arith.constant 2048 : i32
        %mul3A_88 = arith.muli %scan3A_86, %mul3A_87 : i32
        %lt3A = arith.cmpi slt, %broadcast_in_dim3A_9, %broadcast_in_dim3A_5 : vector<16xi32>
        %and3A = arith.andi %broadcast_in_dim3A_9, %broadcast_in_dim3A_11 : vector<16xi32>
        %not3A = arith.constant dense<-1> : vector<16xi32>
        %not3A_89 = arith.xori %broadcast_in_dim3A_9, %not3A : vector<16xi32>
        %select_n3A = arith.select %lt3A, %and3A, %not3A_89 : vector<16xi1>, vector<16xi32>
        %bitcast_convert_type3A = tpu.bitcast %select_n3A : vector<16xi32> -> vector<16xf32>
        %scan3A_90 = arith.constant 0 : i32
        %scan3A_91 = arith.constant 8 : i32
        %scan3A_92 = arith.addi %scan3A_90, %scan3A_91 : i32
        %scan3A_93 = arith.constant 1 : i32
        %scan3A_94:4 = scf.for %scan3A_184 = %scan3A_90 to %scan3A_92 step %scan3A_93 iter_args(%scan3A_185 = %broadcast_in_dim3A_5, %scan3A_186 = %broadcast_in_dim3A_9, %scan3A_187 = %bitcast_convert_type3A, %scan3A_188 = %broadcast_in_dim3A_5) -> (vector<16xi32>, vector<16xi32>, vector<16xf32>, vector<16xi32>)  : i32 {
          %or3A = arith.ori %scan3A_185, %scan3A_186 : vector<16xi32>
          %shift_right_logical3A = arith.constant 1 : i32
          %shift_right_logical3A_189 = vector.broadcast %shift_right_logical3A : i32 to vector<16xi32>
          %shift_right_logical3A_190 = arith.shrui %scan3A_186, %shift_right_logical3A_189 : vector<16xi32>
          %or3A_191 = arith.ori %or3A, %shift_right_logical3A_190 : vector<16xi32>
          %lt3A_192 = arith.cmpi slt, %or3A_191, %broadcast_in_dim3A_5 : vector<16xi32>
          %and3A_193 = arith.andi %or3A_191, %broadcast_in_dim3A_11 : vector<16xi32>
          %not3A_194 = arith.constant dense<-1> : vector<16xi32>
          %not3A_195 = arith.xori %or3A_191, %not3A_194 : vector<16xi32>
          %select_n3A_196 = arith.select %lt3A_192, %and3A_193, %not3A_195 : vector<16xi1>, vector<16xi32>
          %bitcast_convert_type3A_197 = tpu.bitcast %select_n3A_196 : vector<16xi32> -> vector<16xf32>
          %or3A_198 = arith.ori %scan3A_185, %shift_right_logical3A_190 : vector<16xi32>
          %lt3A_199 = arith.cmpi slt, %or3A_198, %broadcast_in_dim3A_5 : vector<16xi32>
          %and3A_200 = arith.andi %or3A_198, %broadcast_in_dim3A_11 : vector<16xi32>
          %not3A_201 = arith.constant dense<-1> : vector<16xi32>
          %not3A_202 = arith.xori %or3A_198, %not3A_201 : vector<16xi32>
          %select_n3A_203 = arith.select %lt3A_199, %and3A_200, %not3A_202 : vector<16xi1>, vector<16xi32>
          %bitcast_convert_type3A_204 = tpu.bitcast %select_n3A_203 : vector<16xi32> -> vector<16xf32>
          %scan3A_205 = arith.constant 0 : i32
          %scan3A_206 = arith.constant 16 : i32
          %scan3A_207 = arith.addi %scan3A_205, %scan3A_206 : i32
          %scan3A_208 = arith.constant 1 : i32
          %scan3A_209 = scf.for %scan3A_215 = %scan3A_205 to %scan3A_207 step %scan3A_208 iter_args(%scan3A_216 = %broadcast_in_dim3A_5) -> (vector<16xi32>)  : i32 {
            %mul3A_217 = arith.constant 128 : i32
            %mul3A_218 = arith.muli %scan3A_215, %mul3A_217 : i32
            %add3A_219 = arith.addi %mul3A_88, %mul3A_218 : i32
            %add3A_220 = arith.constant 0 : i32
            %add3A_221 = arith.addi %add3A_219, %add3A_220 : i32
            %get3A = arith.index_cast %add3A_221 : i32 to index
            %get3A_222 = tpu.vector_load %arg4[%get3A] {strides = array<i32>} : memref<32768xf32, #tpu.memory_space<vmem>>, vector<16xf32>,
            %lt3A_223 = arith.cmpf olt, %get3A_222, %scan3A_187 : vector<16xf32>
            %all_reduce_population_count3A = tpu.all_reduce %lt3A_223 {dim = 0 : i64, kind = #tpu.reduction_kind<sum>} : vector<16xi1> -> vector<16xi32>
            %add3A_224 = arith.addi %scan3A_216, %all_reduce_population_count3A : vector<16xi32>
            %add3A_225 = arith.constant 16 : i32
            %add3A_226 = arith.addi %add3A_219, %add3A_225 : i32
            %get3A_227 = arith.index_cast %add3A_226 : i32 to index
            %get3A_228 = tpu.vector_load %arg4[%get3A_227] {strides = array<i32>} : memref<32768xf32, #tpu.memory_space<vmem>>, vector<16xf32>,
            %lt3A_229 = arith.cmpf olt, %get3A_228, %scan3A_187 : vector<16xf32>
            %all_reduce_population_count3A_230 = tpu.all_reduce %lt3A_229 {dim = 0 : i64, kind = #tpu.reduction_kind<sum>} : vector<16xi1> -> vector<16xi32>
            %add3A_231 = arith.addi %add3A_224, %all_reduce_population_count3A_230 : vector<16xi32>
            %add3A_232 = arith.constant 32 : i32
            %add3A_233 = arith.addi %add3A_219, %add3A_232 : i32
            %get3A_234 = arith.index_cast %add3A_233 : i32 to index
            %get3A_235 = tpu.vector_load %arg4[%get3A_234] {strides = array<i32>} : memref<32768xf32, #tpu.memory_space<vmem>>, vector<16xf32>,
            %lt3A_236 = arith.cmpf olt, %get3A_235, %scan3A_187 : vector<16xf32>
            %all_reduce_population_count3A_237 = tpu.all_reduce %lt3A_236 {dim = 0 : i64, kind = #tpu.reduction_kind<sum>} : vector<16xi1> -> vector<16xi32>
            %add3A_238 = arith.addi %add3A_231, %all_reduce_population_count3A_237 : vector<16xi32>
            %add3A_239 = arith.constant 48 : i32
            %add3A_240 = arith.addi %add3A_219, %add3A_239 : i32
            %get3A_241 = arith.index_cast %add3A_240 : i32 to index
            %get3A_242 = tpu.vector_load %arg4[%get3A_241] {strides = array<i32>} : memref<32768xf32, #tpu.memory_space<vmem>>, vector<16xf32>,
            %lt3A_243 = arith.cmpf olt, %get3A_242, %scan3A_187 : vector<16xf32>
            %all_reduce_population_count3A_244 = tpu.all_reduce %lt3A_243 {dim = 0 : i64, kind = #tpu.reduction_kind<sum>} : vector<16xi1> -> vector<16xi32>
            %add3A_245 = arith.addi %add3A_238, %all_reduce_population_count3A_244 : vector<16xi32>
            %add3A_246 = arith.constant 64 : i32
            %add3A_247 = arith.addi %add3A_219, %add3A_246 : i32
            %get3A_248 = arith.index_cast %add3A_247 : i32 to index
            %get3A_249 = tpu.vector_load %arg4[%get3A_248] {strides = array<i32>} : memref<32768xf32, #tpu.memory_space<vmem>>, vector<16xf32>,
            %lt3A_250 = arith.cmpf olt, %get3A_249, %scan3A_187 : vector<16xf32>
            %all_reduce_population_count3A_251 = tpu.all_reduce %lt3A_250 {dim = 0 : i64, kind = #tpu.reduction_kind<sum>} : vector<16xi1> -> vector<16xi32>
            %add3A_252 = arith.addi %add3A_245, %all_reduce_population_count3A_251 : vector<16xi32>
            %add3A_253 = arith.constant 80 : i32
            %add3A_254 = arith.addi %add3A_219, %add3A_253 : i32
            %get3A_255 = arith.index_cast %add3A_254 : i32 to index
            %get3A_256 = tpu.vector_load %arg4[%get3A_255] {strides = array<i32>} : memref<32768xf32, #tpu.memory_space<vmem>>, vector<16xf32>,
            %lt3A_257 = arith.cmpf olt, %get3A_256, %scan3A_187 : vector<16xf32>
            %all_reduce_population_count3A_258 = tpu.all_reduce %lt3A_257 {dim = 0 : i64, kind = #tpu.reduction_kind<sum>} : vector<16xi1> -> vector<16xi32>
            %add3A_259 = arith.addi %add3A_252, %all_reduce_population_count3A_258 : vector<16xi32>
            %add3A_260 = arith.constant 96 : i32
            %add3A_261 = arith.addi %add3A_219, %add3A_260 : i32
            %get3A_262 = arith.index_cast %add3A_261 : i32 to index
            %get3A_263 = tpu.vector_load %arg4[%get3A_262] {strides = array<i32>} : memref<32768xf32, #tpu.memory_space<vmem>>, vector<16xf32>,
            %lt3A_264 = arith.cmpf olt, %get3A_263, %scan3A_187 : vector<16xf32>
            %all_reduce_population_count3A_265 = tpu.all_reduce %lt3A_264 {dim = 0 : i64, kind = #tpu.reduction_kind<sum>} : vector<16xi1> -> vector<16xi32>
            %add3A_266 = arith.addi %add3A_259, %all_reduce_population_count3A_265 : vector<16xi32>
            %add3A_267 = arith.constant 112 : i32
            %add3A_268 = arith.addi %add3A_219, %add3A_267 : i32
            %get3A_269 = arith.index_cast %add3A_268 : i32 to index
            %get3A_270 = tpu.vector_load %arg4[%get3A_269] {strides = array<i32>} : memref<32768xf32, #tpu.memory_space<vmem>>, vector<16xf32>,
            %lt3A_271 = arith.cmpf olt, %get3A_270, %scan3A_187 : vector<16xf32>
            %all_reduce_population_count3A_272 = tpu.all_reduce %lt3A_271 {dim = 0 : i64, kind = #tpu.reduction_kind<sum>} : vector<16xi1> -> vector<16xi32>
            %add3A_273 = arith.addi %add3A_266, %all_reduce_population_count3A_272 : vector<16xi32>
            scf.yield %add3A_273 : vector<16xi32>
          }
          %scan3A_210 = arith.constant 16 : i32
          %le3A_211 = arith.cmpi sle, %scan3A_209, %broadcast_in_dim3A_3 : vector<16xi32>
          %select_n3A_212 = arith.select %le3A_211, %or3A, %scan3A_185 : vector<16xi1>, vector<16xi32>
          %select_n3A_213 = arith.select %le3A_211, %bitcast_convert_type3A_197, %bitcast_convert_type3A_204 : vector<16xi1>, vector<16xf32>
          %select_n3A_214 = arith.select %le3A_211, %scan3A_209, %scan3A_188 : vector<16xi1>, vector<16xi32>
          scf.yield %select_n3A_212, %shift_right_logical3A_190, %select_n3A_213, %select_n3A_214 : vector<16xi32>, vector<16xi32>, vector<16xf32>, vector<16xi32>
        }
        %scan3A_95 = arith.constant 8 : i32
        %sub3A = arith.subi %broadcast_in_dim3A_3, %scan3A_94#3 : vector<16xi32>
        %broadcast_in_dim3A_96 = arith.constant 0 : i32
        %broadcast_in_dim3A_97 = vector.broadcast %broadcast_in_dim3A_96 : i32 to vector<16xi32>
        %add3A_98 = arith.addi %mul3A_18, %broadcast_in_dim3A_97 : vector<16xi32>
        tpu.vector_store_idx %arg6[%add3A_98], %broadcast_in_dim3A_15 : memref<2064xf32, #tpu.memory_space<vmem>>[vector<16xi32>], vector<16xf32>,
        %broadcast_in_dim3A_99 = arith.constant 1 : i32
        %broadcast_in_dim3A_100 = vector.broadcast %broadcast_in_dim3A_99 : i32 to vector<16xi32>
        %add3A_101 = arith.addi %mul3A_18, %broadcast_in_dim3A_100 : vector<16xi32>
        tpu.vector_store_idx %arg6[%add3A_101], %broadcast_in_dim3A_15 : memref<2064xf32, #tpu.memory_space<vmem>>[vector<16xi32>], vector<16xf32>,
        %broadcast_in_dim3A_102 = arith.constant 2 : i32
        %broadcast_in_dim3A_103 = vector.broadcast %broadcast_in_dim3A_102 : i32 to vector<16xi32>
        %add3A_104 = arith.addi %mul3A_18, %broadcast_in_dim3A_103 : vector<16xi32>
        tpu.vector_store_idx %arg6[%add3A_104], %broadcast_in_dim3A_15 : memref<2064xf32, #tpu.memory_space<vmem>>[vector<16xi32>], vector<16xf32>,
        %broadcast_in_dim3A_105 = arith.constant 3 : i32
        %broadcast_in_dim3A_106 = vector.broadcast %broadcast_in_dim3A_105 : i32 to vector<16xi32>
        %add3A_107 = arith.addi %mul3A_18, %broadcast_in_dim3A_106 : vector<16xi32>
        tpu.vector_store_idx %arg6[%add3A_107], %broadcast_in_dim3A_15 : memref<2064xf32, #tpu.memory_space<vmem>>[vector<16xi32>], vector<16xf32>,
        %broadcast_in_dim3A_108 = arith.constant 4 : i32
        %broadcast_in_dim3A_109 = vector.broadcast %broadcast_in_dim3A_108 : i32 to vector<16xi32>
        %add3A_110 = arith.addi %mul3A_18, %broadcast_in_dim3A_109 : vector<16xi32>
        tpu.vector_store_idx %arg6[%add3A_110], %broadcast_in_dim3A_15 : memref<2064xf32, #tpu.memory_space<vmem>>[vector<16xi32>], vector<16xf32>,
        %broadcast_in_dim3A_111 = arith.constant 5 : i32
        %broadcast_in_dim3A_112 = vector.broadcast %broadcast_in_dim3A_111 : i32 to vector<16xi32>
        %add3A_113 = arith.addi %mul3A_18, %broadcast_in_dim3A_112 : vector<16xi32>
        tpu.vector_store_idx %arg6[%add3A_113], %broadcast_in_dim3A_15 : memref<2064xf32, #tpu.memory_space<vmem>>[vector<16xi32>], vector<16xf32>,
        %broadcast_in_dim3A_114 = arith.constant 6 : i32
        %broadcast_in_dim3A_115 = vector.broadcast %broadcast_in_dim3A_114 : i32 to vector<16xi32>
        %add3A_116 = arith.addi %mul3A_18, %broadcast_in_dim3A_115 : vector<16xi32>
        tpu.vector_store_idx %arg6[%add3A_116], %broadcast_in_dim3A_15 : memref<2064xf32, #tpu.memory_space<vmem>>[vector<16xi32>], vector<16xf32>,
        %broadcast_in_dim3A_117 = arith.constant 7 : i32
        %broadcast_in_dim3A_118 = vector.broadcast %broadcast_in_dim3A_117 : i32 to vector<16xi32>
        %add3A_119 = arith.addi %mul3A_18, %broadcast_in_dim3A_118 : vector<16xi32>
        tpu.vector_store_idx %arg6[%add3A_119], %broadcast_in_dim3A_15 : memref<2064xf32, #tpu.memory_space<vmem>>[vector<16xi32>], vector<16xf32>,
        %broadcast_in_dim3A_120 = arith.constant 8 : i32
        %broadcast_in_dim3A_121 = vector.broadcast %broadcast_in_dim3A_120 : i32 to vector<16xi32>
        %add3A_122 = arith.addi %mul3A_18, %broadcast_in_dim3A_121 : vector<16xi32>
        tpu.vector_store_idx %arg6[%add3A_122], %broadcast_in_dim3A_15 : memref<2064xf32, #tpu.memory_space<vmem>>[vector<16xi32>], vector<16xf32>,
        %broadcast_in_dim3A_123 = arith.constant 9 : i32
        %broadcast_in_dim3A_124 = vector.broadcast %broadcast_in_dim3A_123 : i32 to vector<16xi32>
        %add3A_125 = arith.addi %mul3A_18, %broadcast_in_dim3A_124 : vector<16xi32>
        tpu.vector_store_idx %arg6[%add3A_125], %broadcast_in_dim3A_15 : memref<2064xf32, #tpu.memory_space<vmem>>[vector<16xi32>], vector<16xf32>,
        %broadcast_in_dim3A_126 = arith.constant 10 : i32
        %broadcast_in_dim3A_127 = vector.broadcast %broadcast_in_dim3A_126 : i32 to vector<16xi32>
        %add3A_128 = arith.addi %mul3A_18, %broadcast_in_dim3A_127 : vector<16xi32>
        tpu.vector_store_idx %arg6[%add3A_128], %broadcast_in_dim3A_15 : memref<2064xf32, #tpu.memory_space<vmem>>[vector<16xi32>], vector<16xf32>,
        %broadcast_in_dim3A_129 = arith.constant 11 : i32
        %broadcast_in_dim3A_130 = vector.broadcast %broadcast_in_dim3A_129 : i32 to vector<16xi32>
        %add3A_131 = arith.addi %mul3A_18, %broadcast_in_dim3A_130 : vector<16xi32>
        tpu.vector_store_idx %arg6[%add3A_131], %broadcast_in_dim3A_15 : memref<2064xf32, #tpu.memory_space<vmem>>[vector<16xi32>], vector<16xf32>,
        %broadcast_in_dim3A_132 = arith.constant 12 : i32
        %broadcast_in_dim3A_133 = vector.broadcast %broadcast_in_dim3A_132 : i32 to vector<16xi32>
        %add3A_134 = arith.addi %mul3A_18, %broadcast_in_dim3A_133 : vector<16xi32>
        tpu.vector_store_idx %arg6[%add3A_134], %broadcast_in_dim3A_15 : memref<2064xf32, #tpu.memory_space<vmem>>[vector<16xi32>], vector<16xf32>,
        %broadcast_in_dim3A_135 = arith.constant 13 : i32
        %broadcast_in_dim3A_136 = vector.broadcast %broadcast_in_dim3A_135 : i32 to vector<16xi32>
        %add3A_137 = arith.addi %mul3A_18, %broadcast_in_dim3A_136 : vector<16xi32>
        tpu.vector_store_idx %arg6[%add3A_137], %broadcast_in_dim3A_15 : memref<2064xf32, #tpu.memory_space<vmem>>[vector<16xi32>], vector<16xf32>,
        %broadcast_in_dim3A_138 = arith.constant 14 : i32
        %broadcast_in_dim3A_139 = vector.broadcast %broadcast_in_dim3A_138 : i32 to vector<16xi32>
        %add3A_140 = arith.addi %mul3A_18, %broadcast_in_dim3A_139 : vector<16xi32>
        tpu.vector_store_idx %arg6[%add3A_140], %broadcast_in_dim3A_15 : memref<2064xf32, #tpu.memory_space<vmem>>[vector<16xi32>], vector<16xf32>,
        %broadcast_in_dim3A_141 = arith.constant 15 : i32
        %broadcast_in_dim3A_142 = vector.broadcast %broadcast_in_dim3A_141 : i32 to vector<16xi32>
        %add3A_143 = arith.addi %mul3A_18, %broadcast_in_dim3A_142 : vector<16xi32>
        tpu.vector_store_idx %arg6[%add3A_143], %broadcast_in_dim3A_15 : memref<2064xf32, #tpu.memory_space<vmem>>[vector<16xi32>], vector<16xf32>,
        %lt3A_144 = arith.cmpi slt, %scan3A_94#0, %broadcast_in_dim3A_5 : vector<16xi32>
        %and3A_145 = arith.andi %scan3A_94#0, %broadcast_in_dim3A_11 : vector<16xi32>
        %not3A_146 = arith.constant dense<-1> : vector<16xi32>
        %not3A_147 = arith.xori %scan3A_94#0, %not3A_146 : vector<16xi32>
        %select_n3A_148 = arith.select %lt3A_144, %and3A_145, %not3A_147 : vector<16xi1>, vector<16xi32>
        %bitcast_convert_type3A_149 = tpu.bitcast %select_n3A_148 : vector<16xi32> -> vector<16xf32>
        %broadcast_in_dim3A_150 = arith.constant 16777216 : i32
        %broadcast_in_dim3A_151 = vector.broadcast %broadcast_in_dim3A_150 : i32 to vector<16xi32>
        %add3A_152 = arith.addi %scan3A_94#0, %broadcast_in_dim3A_151 : vector<16xi32>
        %lt3A_153 = arith.cmpi slt, %add3A_152, %broadcast_in_dim3A_5 : vector<16xi32>
        %and3A_154 = arith.andi %add3A_152, %broadcast_in_dim3A_11 : vector<16xi32>
        %not3A_155 = arith.constant dense<-1> : vector<16xi32>
        %not3A_156 = arith.xori %add3A_152, %not3A_155 : vector<16xi32>
        %select_n3A_157 = arith.select %lt3A_153, %and3A_154, %not3A_156 : vector<16xi1>, vector<16xi32>
        %bitcast_convert_type3A_158 = tpu.bitcast %select_n3A_157 : vector<16xi32> -> vector<16xf32>
        %eq3A_159 = arith.cmpi eq, %scan3A_94#0, %broadcast_in_dim3A_13 : vector<16xi32>
        %scan3A_160 = arith.constant 0 : i32
        %scan3A_161 = arith.constant 16 : i32
        %scan3A_162 = arith.addi %scan3A_160, %scan3A_161 : i32
        %scan3A_163 = arith.constant 1 : i32
        %scan3A_164 = scf.for %scan3A_184 = %scan3A_160 to %scan3A_162 step %scan3A_163 iter_args(%scan3A_185 = %broadcast_in_dim3A_5) -> (vector<16xi32>)  : i32 {
          %mul3A_186 = arith.constant 8 : i32
          %mul3A_187 = arith.muli %scan3A_184, %mul3A_186 : i32
          %add3A_188 = arith.constant 0 : i32
          %add3A_189 = arith.addi %mul3A_187, %add3A_188 : i32
          %mul3A_190 = arith.constant 16 : i32
          %mul3A_191 = arith.muli %add3A_189, %mul3A_190 : i32
          %add3A_192 = arith.addi %mul3A_88, %mul3A_191 : i32
          %get3A = arith.index_cast %add3A_192 : i32 to index
          %get3A_193 = tpu.vector_load %arg4[%get3A] {strides = array<i32>} : memref<32768xf32, #tpu.memory_space<vmem>>, vector<16xf32>,
          %lt3A_194 = arith.cmpf olt, %get3A_193, %bitcast_convert_type3A_149 : vector<16xf32>
          %not3A_195 = arith.constant dense<true> : vector<16xi1>
          %not3A_196 = arith.xori %lt3A_194, %not3A_195 : vector<16xi1>
          %lt3A_197 = arith.cmpf olt, %get3A_193, %bitcast_convert_type3A_158 : vector<16xf32>
          %or3A = arith.ori %lt3A_197, %eq3A_159 : vector<16xi1>
          %and3A_198 = arith.andi %not3A_196, %or3A : vector<16xi1>
          %mul3A_199 = arith.constant 8 : i32
          %mul3A_200 = arith.muli %scan3A_184, %mul3A_199 : i32
          %add3A_201 = arith.constant 1 : i32
          %add3A_202 = arith.addi %mul3A_200, %add3A_201 : i32
          %mul3A_203 = arith.constant 16 : i32
          %mul3A_204 = arith.muli %add3A_202, %mul3A_203 : i32
          %add3A_205 = arith.addi %mul3A_88, %mul3A_204 : i32
          %get3A_206 = arith.index_cast %add3A_205 : i32 to index
          %get3A_207 = tpu.vector_load %arg4[%get3A_206] {strides = array<i32>} : memref<32768xf32, #tpu.memory_space<vmem>>, vector<16xf32>,
          %lt3A_208 = arith.cmpf olt, %get3A_207, %bitcast_convert_type3A_149 : vector<16xf32>
          %not3A_209 = arith.constant dense<true> : vector<16xi1>
          %not3A_210 = arith.xori %lt3A_208, %not3A_209 : vector<16xi1>
          %lt3A_211 = arith.cmpf olt, %get3A_207, %bitcast_convert_type3A_158 : vector<16xf32>
          %or3A_212 = arith.ori %lt3A_211, %eq3A_159 : vector<16xi1>
          %and3A_213 = arith.andi %not3A_210, %or3A_212 : vector<16xi1>
          %mul3A_214 = arith.constant 8 : i32
          %mul3A_215 = arith.muli %scan3A_184, %mul3A_214 : i32
          %add3A_216 = arith.constant 2 : i32
          %add3A_217 = arith.addi %mul3A_215, %add3A_216 : i32
          %mul3A_218 = arith.constant 16 : i32
          %mul3A_219 = arith.muli %add3A_217, %mul3A_218 : i32
          %add3A_220 = arith.addi %mul3A_88, %mul3A_219 : i32
          %get3A_221 = arith.index_cast %add3A_220 : i32 to index
          %get3A_222 = tpu.vector_load %arg4[%get3A_221] {strides = array<i32>} : memref<32768xf32, #tpu.memory_space<vmem>>, vector<16xf32>,
          %lt3A_223 = arith.cmpf olt, %get3A_222, %bitcast_convert_type3A_149 : vector<16xf32>
          %not3A_224 = arith.constant dense<true> : vector<16xi1>
          %not3A_225 = arith.xori %lt3A_223, %not3A_224 : vector<16xi1>
          %lt3A_226 = arith.cmpf olt, %get3A_222, %bitcast_convert_type3A_158 : vector<16xf32>
          %or3A_227 = arith.ori %lt3A_226, %eq3A_159 : vector<16xi1>
          %and3A_228 = arith.andi %not3A_225, %or3A_227 : vector<16xi1>
          %mul3A_229 = arith.constant 8 : i32
          %mul3A_230 = arith.muli %scan3A_184, %mul3A_229 : i32
          %add3A_231 = arith.constant 3 : i32
          %add3A_232 = arith.addi %mul3A_230, %add3A_231 : i32
          %mul3A_233 = arith.constant 16 : i32
          %mul3A_234 = arith.muli %add3A_232, %mul3A_233 : i32
          %add3A_235 = arith.addi %mul3A_88, %mul3A_234 : i32
          %get3A_236 = arith.index_cast %add3A_235 : i32 to index
          %get3A_237 = tpu.vector_load %arg4[%get3A_236] {strides = array<i32>} : memref<32768xf32, #tpu.memory_space<vmem>>, vector<16xf32>,
          %lt3A_238 = arith.cmpf olt, %get3A_237, %bitcast_convert_type3A_149 : vector<16xf32>
          %not3A_239 = arith.constant dense<true> : vector<16xi1>
          %not3A_240 = arith.xori %lt3A_238, %not3A_239 : vector<16xi1>
          %lt3A_241 = arith.cmpf olt, %get3A_237, %bitcast_convert_type3A_158 : vector<16xf32>
          %or3A_242 = arith.ori %lt3A_241, %eq3A_159 : vector<16xi1>
          %and3A_243 = arith.andi %not3A_240, %or3A_242 : vector<16xi1>
          %mul3A_244 = arith.constant 8 : i32
          %mul3A_245 = arith.muli %scan3A_184, %mul3A_244 : i32
          %add3A_246 = arith.constant 4 : i32
          %add3A_247 = arith.addi %mul3A_245, %add3A_246 : i32
          %mul3A_248 = arith.constant 16 : i32
          %mul3A_249 = arith.muli %add3A_247, %mul3A_248 : i32
          %add3A_250 = arith.addi %mul3A_88, %mul3A_249 : i32
          %get3A_251 = arith.index_cast %add3A_250 : i32 to index
          %get3A_252 = tpu.vector_load %arg4[%get3A_251] {strides = array<i32>} : memref<32768xf32, #tpu.memory_space<vmem>>, vector<16xf32>,
          %lt3A_253 = arith.cmpf olt, %get3A_252, %bitcast_convert_type3A_149 : vector<16xf32>
          %not3A_254 = arith.constant dense<true> : vector<16xi1>
          %not3A_255 = arith.xori %lt3A_253, %not3A_254 : vector<16xi1>
          %lt3A_256 = arith.cmpf olt, %get3A_252, %bitcast_convert_type3A_158 : vector<16xf32>
          %or3A_257 = arith.ori %lt3A_256, %eq3A_159 : vector<16xi1>
          %and3A_258 = arith.andi %not3A_255, %or3A_257 : vector<16xi1>
          %mul3A_259 = arith.constant 8 : i32
          %mul3A_260 = arith.muli %scan3A_184, %mul3A_259 : i32
          %add3A_261 = arith.constant 5 : i32
          %add3A_262 = arith.addi %mul3A_260, %add3A_261 : i32
          %mul3A_263 = arith.constant 16 : i32
          %mul3A_264 = arith.muli %add3A_262, %mul3A_263 : i32
          %add3A_265 = arith.addi %mul3A_88, %mul3A_264 : i32
          %get3A_266 = arith.index_cast %add3A_265 : i32 to index
          %get3A_267 = tpu.vector_load %arg4[%get3A_266] {strides = array<i32>} : memref<32768xf32, #tpu.memory_space<vmem>>, vector<16xf32>,
          %lt3A_268 = arith.cmpf olt, %get3A_267, %bitcast_convert_type3A_149 : vector<16xf32>
          %not3A_269 = arith.constant dense<true> : vector<16xi1>
          %not3A_270 = arith.xori %lt3A_268, %not3A_269 : vector<16xi1>
          %lt3A_271 = arith.cmpf olt, %get3A_267, %bitcast_convert_type3A_158 : vector<16xf32>
          %or3A_272 = arith.ori %lt3A_271, %eq3A_159 : vector<16xi1>
          %and3A_273 = arith.andi %not3A_270, %or3A_272 : vector<16xi1>
          %mul3A_274 = arith.constant 8 : i32
          %mul3A_275 = arith.muli %scan3A_184, %mul3A_274 : i32
          %add3A_276 = arith.constant 6 : i32
          %add3A_277 = arith.addi %mul3A_275, %add3A_276 : i32
          %mul3A_278 = arith.constant 16 : i32
          %mul3A_279 = arith.muli %add3A_277, %mul3A_278 : i32
          %add3A_280 = arith.addi %mul3A_88, %mul3A_279 : i32
          %get3A_281 = arith.index_cast %add3A_280 : i32 to index
          %get3A_282 = tpu.vector_load %arg4[%get3A_281] {strides = array<i32>} : memref<32768xf32, #tpu.memory_space<vmem>>, vector<16xf32>,
          %lt3A_283 = arith.cmpf olt, %get3A_282, %bitcast_convert_type3A_149 : vector<16xf32>
          %not3A_284 = arith.constant dense<true> : vector<16xi1>
          %not3A_285 = arith.xori %lt3A_283, %not3A_284 : vector<16xi1>
          %lt3A_286 = arith.cmpf olt, %get3A_282, %bitcast_convert_type3A_158 : vector<16xf32>
          %or3A_287 = arith.ori %lt3A_286, %eq3A_159 : vector<16xi1>
          %and3A_288 = arith.andi %not3A_285, %or3A_287 : vector<16xi1>
          %mul3A_289 = arith.constant 8 : i32
          %mul3A_290 = arith.muli %scan3A_184, %mul3A_289 : i32
          %add3A_291 = arith.constant 7 : i32
          %add3A_292 = arith.addi %mul3A_290, %add3A_291 : i32
          %mul3A_293 = arith.constant 16 : i32
          %mul3A_294 = arith.muli %add3A_292, %mul3A_293 : i32
          %add3A_295 = arith.addi %mul3A_88, %mul3A_294 : i32
          %get3A_296 = arith.index_cast %add3A_295 : i32 to index
          %get3A_297 = tpu.vector_load %arg4[%get3A_296] {strides = array<i32>} : memref<32768xf32, #tpu.memory_space<vmem>>, vector<16xf32>,
          %lt3A_298 = arith.cmpf olt, %get3A_297, %bitcast_convert_type3A_149 : vector<16xf32>
          %not3A_299 = arith.constant dense<true> : vector<16xi1>
          %not3A_300 = arith.xori %lt3A_298, %not3A_299 : vector<16xi1>
          %lt3A_301 = arith.cmpf olt, %get3A_297, %bitcast_convert_type3A_158 : vector<16xf32>
          %or3A_302 = arith.ori %lt3A_301, %eq3A_159 : vector<16xi1>
          %and3A_303 = arith.andi %not3A_300, %or3A_302 : vector<16xi1>
          %add3A_304 = arith.addi %mul3A_18, %scan3A_185 : vector<16xi32>
          %select_n3A_305 = arith.select %and3A_198, %broadcast_in_dim3A_7, %broadcast_in_dim3A_5 : vector<16xi1>, vector<16xi32>
          %add3A_306 = arith.addi %scan3A_185, %select_n3A_305 : vector<16xi32>
          %add3A_307 = arith.addi %mul3A_18, %add3A_306 : vector<16xi32>
          %select_n3A_308 = arith.select %and3A_213, %broadcast_in_dim3A_7, %broadcast_in_dim3A_5 : vector<16xi1>, vector<16xi32>
          %add3A_309 = arith.addi %add3A_306, %select_n3A_308 : vector<16xi32>
          %add3A_310 = arith.addi %mul3A_18, %add3A_309 : vector<16xi32>
          %select_n3A_311 = arith.select %and3A_228, %broadcast_in_dim3A_7, %broadcast_in_dim3A_5 : vector<16xi1>, vector<16xi32>
          %add3A_312 = arith.addi %add3A_309, %select_n3A_311 : vector<16xi32>
          %add3A_313 = arith.addi %mul3A_18, %add3A_312 : vector<16xi32>
          %select_n3A_314 = arith.select %and3A_243, %broadcast_in_dim3A_7, %broadcast_in_dim3A_5 : vector<16xi1>, vector<16xi32>
          %add3A_315 = arith.addi %add3A_312, %select_n3A_314 : vector<16xi32>
          %add3A_316 = arith.addi %mul3A_18, %add3A_315 : vector<16xi32>
          %select_n3A_317 = arith.select %and3A_258, %broadcast_in_dim3A_7, %broadcast_in_dim3A_5 : vector<16xi1>, vector<16xi32>
          %add3A_318 = arith.addi %add3A_315, %select_n3A_317 : vector<16xi32>
          %add3A_319 = arith.addi %mul3A_18, %add3A_318 : vector<16xi32>
          %select_n3A_320 = arith.select %and3A_273, %broadcast_in_dim3A_7, %broadcast_in_dim3A_5 : vector<16xi1>, vector<16xi32>
          %add3A_321 = arith.addi %add3A_318, %select_n3A_320 : vector<16xi32>
          %add3A_322 = arith.addi %mul3A_18, %add3A_321 : vector<16xi32>
          %select_n3A_323 = arith.select %and3A_288, %broadcast_in_dim3A_7, %broadcast_in_dim3A_5 : vector<16xi1>, vector<16xi32>
          %add3A_324 = arith.addi %add3A_321, %select_n3A_323 : vector<16xi32>
          %add3A_325 = arith.addi %mul3A_18, %add3A_324 : vector<16xi32>
          %select_n3A_326 = arith.select %and3A_303, %broadcast_in_dim3A_7, %broadcast_in_dim3A_5 : vector<16xi1>, vector<16xi32>
          %add3A_327 = arith.addi %add3A_324, %select_n3A_326 : vector<16xi32>
          tpu.vector_store_idx %arg6[%add3A_304], %get3A_193 masked %and3A_198 : memref<2064xf32, #tpu.memory_space<vmem>>[vector<16xi32>], vector<16xf32>, vector<16xi1>
          tpu.vector_store_idx %arg6[%add3A_307], %get3A_207 masked %and3A_213 : memref<2064xf32, #tpu.memory_space<vmem>>[vector<16xi32>], vector<16xf32>, vector<16xi1>
          tpu.vector_store_idx %arg6[%add3A_310], %get3A_222 masked %and3A_228 : memref<2064xf32, #tpu.memory_space<vmem>>[vector<16xi32>], vector<16xf32>, vector<16xi1>
          tpu.vector_store_idx %arg6[%add3A_313], %get3A_237 masked %and3A_243 : memref<2064xf32, #tpu.memory_space<vmem>>[vector<16xi32>], vector<16xf32>, vector<16xi1>
          tpu.vector_store_idx %arg6[%add3A_316], %get3A_252 masked %and3A_258 : memref<2064xf32, #tpu.memory_space<vmem>>[vector<16xi32>], vector<16xf32>, vector<16xi1>
          tpu.vector_store_idx %arg6[%add3A_319], %get3A_267 masked %and3A_273 : memref<2064xf32, #tpu.memory_space<vmem>>[vector<16xi32>], vector<16xf32>, vector<16xi1>
          tpu.vector_store_idx %arg6[%add3A_322], %get3A_282 masked %and3A_288 : memref<2064xf32, #tpu.memory_space<vmem>>[vector<16xi32>], vector<16xf32>, vector<16xi1>
          tpu.vector_store_idx %arg6[%add3A_325], %get3A_297 masked %and3A_303 : memref<2064xf32, #tpu.memory_space<vmem>>[vector<16xi32>], vector<16xf32>, vector<16xi1>
          scf.yield %add3A_327 : vector<16xi32>
        }
        %scan3A_165 = arith.constant 16 : i32
        %reduce_max3A = arith.constant true
        %reduce_max3A_166 = vector.broadcast %reduce_max3A : i1 to vector<16xi1>
        %reduce_max3A_167 = arith.constant -2147483648 : i32
        %reduce_max3A_168 = vector.broadcast %reduce_max3A_167 : i32 to vector<16xi32>
        %reduce_max3A_169 = arith.xori %scan3A_164, %reduce_max3A_168 : vector<16xi32>
        %reduce_max3A_170 = tpu.scan <max>, %reduce_max3A_169 masked %reduce_max3A_166 : vector<16xi32>, vector<16xi1> -> vector<16xi32>
        %reduce_max3A_171 = arith.xori %reduce_max3A_170, %reduce_max3A_168 : vector<16xi32>
        %reduce_max3A_172 = vector.extract %reduce_max3A_171[15] : i32 from vector<16xi32>
        %le3A = arith.constant 16 : i32
        %le3A_173 = arith.cmpi sle, %reduce_max3A_172, %le3A : i32
        %convert_element_type3A = arith.extui %le3A_173 : i1 to i32
        %cond3A = arith.constant 0 : i32
        %cond3A_174 = arith.cmpi ne, %convert_element_type3A, %cond3A : i32
        %cond3A_175 = scf.if %cond3A_174 -> (vector<16xi32>) {
          %broadcast_in_dim3A_184 = arith.constant 0 : i32
          %broadcast_in_dim3A_185 = vector.broadcast %broadcast_in_dim3A_184 : i32 to vector<16xi32>
          %add3A_186 = arith.addi %mul3A_18, %broadcast_in_dim3A_185 : vector<16xi32>
          %gather3A = tpu.vector_load_idx %arg6[%add3A_186] : memref<2064xf32, #tpu.memory_space<vmem>>[vector<16xi32>], vector<16xf32>,
          %broadcast_in_dim3A_187 = arith.constant 1 : i32
          %broadcast_in_dim3A_188 = vector.broadcast %broadcast_in_dim3A_187 : i32 to vector<16xi32>
          %add3A_189 = arith.addi %mul3A_18, %broadcast_in_dim3A_188 : vector<16xi32>
          %gather3A_190 = tpu.vector_load_idx %arg6[%add3A_189] : memref<2064xf32, #tpu.memory_space<vmem>>[vector<16xi32>], vector<16xf32>,
          %broadcast_in_dim3A_191 = arith.constant 2 : i32
          %broadcast_in_dim3A_192 = vector.broadcast %broadcast_in_dim3A_191 : i32 to vector<16xi32>
          %add3A_193 = arith.addi %mul3A_18, %broadcast_in_dim3A_192 : vector<16xi32>
          %gather3A_194 = tpu.vector_load_idx %arg6[%add3A_193] : memref<2064xf32, #tpu.memory_space<vmem>>[vector<16xi32>], vector<16xf32>,
          %broadcast_in_dim3A_195 = arith.constant 3 : i32
          %broadcast_in_dim3A_196 = vector.broadcast %broadcast_in_dim3A_195 : i32 to vector<16xi32>
          %add3A_197 = arith.addi %mul3A_18, %broadcast_in_dim3A_196 : vector<16xi32>
          %gather3A_198 = tpu.vector_load_idx %arg6[%add3A_197] : memref<2064xf32, #tpu.memory_space<vmem>>[vector<16xi32>], vector<16xf32>,
          %broadcast_in_dim3A_199 = arith.constant 4 : i32
          %broadcast_in_dim3A_200 = vector.broadcast %broadcast_in_dim3A_199 : i32 to vector<16xi32>
          %add3A_201 = arith.addi %mul3A_18, %broadcast_in_dim3A_200 : vector<16xi32>
          %gather3A_202 = tpu.vector_load_idx %arg6[%add3A_201] : memref<2064xf32, #tpu.memory_space<vmem>>[vector<16xi32>], vector<16xf32>,
          %broadcast_in_dim3A_203 = arith.constant 5 : i32
          %broadcast_in_dim3A_204 = vector.broadcast %broadcast_in_dim3A_203 : i32 to vector<16xi32>
          %add3A_205 = arith.addi %mul3A_18, %broadcast_in_dim3A_204 : vector<16xi32>
          %gather3A_206 = tpu.vector_load_idx %arg6[%add3A_205] : memref<2064xf32, #tpu.memory_space<vmem>>[vector<16xi32>], vector<16xf32>,
          %broadcast_in_dim3A_207 = arith.constant 6 : i32
          %broadcast_in_dim3A_208 = vector.broadcast %broadcast_in_dim3A_207 : i32 to vector<16xi32>
          %add3A_209 = arith.addi %mul3A_18, %broadcast_in_dim3A_208 : vector<16xi32>
          %gather3A_210 = tpu.vector_load_idx %arg6[%add3A_209] : memref<2064xf32, #tpu.memory_space<vmem>>[vector<16xi32>], vector<16xf32>,
          %broadcast_in_dim3A_211 = arith.constant 7 : i32
          %broadcast_in_dim3A_212 = vector.broadcast %broadcast_in_dim3A_211 : i32 to vector<16xi32>
          %add3A_213 = arith.addi %mul3A_18, %broadcast_in_dim3A_212 : vector<16xi32>
          %gather3A_214 = tpu.vector_load_idx %arg6[%add3A_213] : memref<2064xf32, #tpu.memory_space<vmem>>[vector<16xi32>], vector<16xf32>,
          %broadcast_in_dim3A_215 = arith.constant 8 : i32
          %broadcast_in_dim3A_216 = vector.broadcast %broadcast_in_dim3A_215 : i32 to vector<16xi32>
          %add3A_217 = arith.addi %mul3A_18, %broadcast_in_dim3A_216 : vector<16xi32>
          %gather3A_218 = tpu.vector_load_idx %arg6[%add3A_217] : memref<2064xf32, #tpu.memory_space<vmem>>[vector<16xi32>], vector<16xf32>,
          %broadcast_in_dim3A_219 = arith.constant 9 : i32
          %broadcast_in_dim3A_220 = vector.broadcast %broadcast_in_dim3A_219 : i32 to vector<16xi32>
          %add3A_221 = arith.addi %mul3A_18, %broadcast_in_dim3A_220 : vector<16xi32>
          %gather3A_222 = tpu.vector_load_idx %arg6[%add3A_221] : memref<2064xf32, #tpu.memory_space<vmem>>[vector<16xi32>], vector<16xf32>,
          %broadcast_in_dim3A_223 = arith.constant 10 : i32
          %broadcast_in_dim3A_224 = vector.broadcast %broadcast_in_dim3A_223 : i32 to vector<16xi32>
          %add3A_225 = arith.addi %mul3A_18, %broadcast_in_dim3A_224 : vector<16xi32>
          %gather3A_226 = tpu.vector_load_idx %arg6[%add3A_225] : memref<2064xf32, #tpu.memory_space<vmem>>[vector<16xi32>], vector<16xf32>,
          %broadcast_in_dim3A_227 = arith.constant 11 : i32
          %broadcast_in_dim3A_228 = vector.broadcast %broadcast_in_dim3A_227 : i32 to vector<16xi32>
          %add3A_229 = arith.addi %mul3A_18, %broadcast_in_dim3A_228 : vector<16xi32>
          %gather3A_230 = tpu.vector_load_idx %arg6[%add3A_229] : memref<2064xf32, #tpu.memory_space<vmem>>[vector<16xi32>], vector<16xf32>,
          %broadcast_in_dim3A_231 = arith.constant 12 : i32
          %broadcast_in_dim3A_232 = vector.broadcast %broadcast_in_dim3A_231 : i32 to vector<16xi32>
          %add3A_233 = arith.addi %mul3A_18, %broadcast_in_dim3A_232 : vector<16xi32>
          %gather3A_234 = tpu.vector_load_idx %arg6[%add3A_233] : memref<2064xf32, #tpu.memory_space<vmem>>[vector<16xi32>], vector<16xf32>,
          %broadcast_in_dim3A_235 = arith.constant 13 : i32
          %broadcast_in_dim3A_236 = vector.broadcast %broadcast_in_dim3A_235 : i32 to vector<16xi32>
          %add3A_237 = arith.addi %mul3A_18, %broadcast_in_dim3A_236 : vector<16xi32>
          %gather3A_238 = tpu.vector_load_idx %arg6[%add3A_237] : memref<2064xf32, #tpu.memory_space<vmem>>[vector<16xi32>], vector<16xf32>,
          %broadcast_in_dim3A_239 = arith.constant 14 : i32
          %broadcast_in_dim3A_240 = vector.broadcast %broadcast_in_dim3A_239 : i32 to vector<16xi32>
          %add3A_241 = arith.addi %mul3A_18, %broadcast_in_dim3A_240 : vector<16xi32>
          %gather3A_242 = tpu.vector_load_idx %arg6[%add3A_241] : memref<2064xf32, #tpu.memory_space<vmem>>[vector<16xi32>], vector<16xf32>,
          %broadcast_in_dim3A_243 = arith.constant 15 : i32
          %broadcast_in_dim3A_244 = vector.broadcast %broadcast_in_dim3A_243 : i32 to vector<16xi32>
          %add3A_245 = arith.addi %mul3A_18, %broadcast_in_dim3A_244 : vector<16xi32>
          %gather3A_246 = tpu.vector_load_idx %arg6[%add3A_245] : memref<2064xf32, #tpu.memory_space<vmem>>[vector<16xi32>], vector<16xf32>,
          %scan3A_247 = arith.constant 0 : i32
          %scan3A_248 = arith.constant 24 : i32
          %scan3A_249 = arith.addi %scan3A_247, %scan3A_248 : i32
          %scan3A_250 = arith.constant 1 : i32
          %scan3A_251:3 = scf.for %scan3A_253 = %scan3A_247 to %scan3A_249 step %scan3A_250 iter_args(%scan3A_254 = %scan3A_94#0, %scan3A_255 = %scan3A_94#1, %scan3A_256 = %scan3A_94#2) -> (vector<16xi32>, vector<16xi32>, vector<16xf32>)  : i32 {
            %lt3A_257 = arith.cmpf olt, %gather3A, %scan3A_256 : vector<16xf32>
            %all_reduce_population_count3A = tpu.all_reduce %lt3A_257 {dim = 0 : i64, kind = #tpu.reduction_kind<sum>} : vector<16xi1> -> vector<16xi32>
            %add3A_258 = arith.addi %broadcast_in_dim3A_5, %all_reduce_population_count3A : vector<16xi32>
            %lt3A_259 = arith.cmpf olt, %gather3A_190, %scan3A_256 : vector<16xf32>
            %all_reduce_population_count3A_260 = tpu.all_reduce %lt3A_259 {dim = 0 : i64, kind = #tpu.reduction_kind<sum>} : vector<16xi1> -> vector<16xi32>
            %add3A_261 = arith.addi %add3A_258, %all_reduce_population_count3A_260 : vector<16xi32>
            %lt3A_262 = arith.cmpf olt, %gather3A_194, %scan3A_256 : vector<16xf32>
            %all_reduce_population_count3A_263 = tpu.all_reduce %lt3A_262 {dim = 0 : i64, kind = #tpu.reduction_kind<sum>} : vector<16xi1> -> vector<16xi32>
            %add3A_264 = arith.addi %add3A_261, %all_reduce_population_count3A_263 : vector<16xi32>
            %lt3A_265 = arith.cmpf olt, %gather3A_198, %scan3A_256 : vector<16xf32>
            %all_reduce_population_count3A_266 = tpu.all_reduce %lt3A_265 {dim = 0 : i64, kind = #tpu.reduction_kind<sum>} : vector<16xi1> -> vector<16xi32>
            %add3A_267 = arith.addi %add3A_264, %all_reduce_population_count3A_266 : vector<16xi32>
            %lt3A_268 = arith.cmpf olt, %gather3A_202, %scan3A_256 : vector<16xf32>
            %all_reduce_population_count3A_269 = tpu.all_reduce %lt3A_268 {dim = 0 : i64, kind = #tpu.reduction_kind<sum>} : vector<16xi1> -> vector<16xi32>
            %add3A_270 = arith.addi %add3A_267, %all_reduce_population_count3A_269 : vector<16xi32>
            %lt3A_271 = arith.cmpf olt, %gather3A_206, %scan3A_256 : vector<16xf32>
            %all_reduce_population_count3A_272 = tpu.all_reduce %lt3A_271 {dim = 0 : i64, kind = #tpu.reduction_kind<sum>} : vector<16xi1> -> vector<16xi32>
            %add3A_273 = arith.addi %add3A_270, %all_reduce_population_count3A_272 : vector<16xi32>
            %lt3A_274 = arith.cmpf olt, %gather3A_210, %scan3A_256 : vector<16xf32>
            %all_reduce_population_count3A_275 = tpu.all_reduce %lt3A_274 {dim = 0 : i64, kind = #tpu.reduction_kind<sum>} : vector<16xi1> -> vector<16xi32>
            %add3A_276 = arith.addi %add3A_273, %all_reduce_population_count3A_275 : vector<16xi32>
            %lt3A_277 = arith.cmpf olt, %gather3A_214, %scan3A_256 : vector<16xf32>
            %all_reduce_population_count3A_278 = tpu.all_reduce %lt3A_277 {dim = 0 : i64, kind = #tpu.reduction_kind<sum>} : vector<16xi1> -> vector<16xi32>
            %add3A_279 = arith.addi %add3A_276, %all_reduce_population_count3A_278 : vector<16xi32>
            %lt3A_280 = arith.cmpf olt, %gather3A_218, %scan3A_256 : vector<16xf32>
            %all_reduce_population_count3A_281 = tpu.all_reduce %lt3A_280 {dim = 0 : i64, kind = #tpu.reduction_kind<sum>} : vector<16xi1> -> vector<16xi32>
            %add3A_282 = arith.addi %add3A_279, %all_reduce_population_count3A_281 : vector<16xi32>
            %lt3A_283 = arith.cmpf olt, %gather3A_222, %scan3A_256 : vector<16xf32>
            %all_reduce_population_count3A_284 = tpu.all_reduce %lt3A_283 {dim = 0 : i64, kind = #tpu.reduction_kind<sum>} : vector<16xi1> -> vector<16xi32>
            %add3A_285 = arith.addi %add3A_282, %all_reduce_population_count3A_284 : vector<16xi32>
            %lt3A_286 = arith.cmpf olt, %gather3A_226, %scan3A_256 : vector<16xf32>
            %all_reduce_population_count3A_287 = tpu.all_reduce %lt3A_286 {dim = 0 : i64, kind = #tpu.reduction_kind<sum>} : vector<16xi1> -> vector<16xi32>
            %add3A_288 = arith.addi %add3A_285, %all_reduce_population_count3A_287 : vector<16xi32>
            %lt3A_289 = arith.cmpf olt, %gather3A_230, %scan3A_256 : vector<16xf32>
            %all_reduce_population_count3A_290 = tpu.all_reduce %lt3A_289 {dim = 0 : i64, kind = #tpu.reduction_kind<sum>} : vector<16xi1> -> vector<16xi32>
            %add3A_291 = arith.addi %add3A_288, %all_reduce_population_count3A_290 : vector<16xi32>
            %lt3A_292 = arith.cmpf olt, %gather3A_234, %scan3A_256 : vector<16xf32>
            %all_reduce_population_count3A_293 = tpu.all_reduce %lt3A_292 {dim = 0 : i64, kind = #tpu.reduction_kind<sum>} : vector<16xi1> -> vector<16xi32>
            %add3A_294 = arith.addi %add3A_291, %all_reduce_population_count3A_293 : vector<16xi32>
            %lt3A_295 = arith.cmpf olt, %gather3A_238, %scan3A_256 : vector<16xf32>
            %all_reduce_population_count3A_296 = tpu.all_reduce %lt3A_295 {dim = 0 : i64, kind = #tpu.reduction_kind<sum>} : vector<16xi1> -> vector<16xi32>
            %add3A_297 = arith.addi %add3A_294, %all_reduce_population_count3A_296 : vector<16xi32>
            %lt3A_298 = arith.cmpf olt, %gather3A_242, %scan3A_256 : vector<16xf32>
            %all_reduce_population_count3A_299 = tpu.all_reduce %lt3A_298 {dim = 0 : i64, kind = #tpu.reduction_kind<sum>} : vector<16xi1> -> vector<16xi32>
            %add3A_300 = arith.addi %add3A_297, %all_reduce_population_count3A_299 : vector<16xi32>
            %lt3A_301 = arith.cmpf olt, %gather3A_246, %scan3A_256 : vector<16xf32>
            %all_reduce_population_count3A_302 = tpu.all_reduce %lt3A_301 {dim = 0 : i64, kind = #tpu.reduction_kind<sum>} : vector<16xi1> -> vector<16xi32>
            %add3A_303 = arith.addi %add3A_300, %all_reduce_population_count3A_302 : vector<16xi32>
            %or3A = arith.ori %scan3A_254, %scan3A_255 : vector<16xi32>
            %shift_right_logical3A = arith.constant 1 : i32
            %shift_right_logical3A_304 = vector.broadcast %shift_right_logical3A : i32 to vector<16xi32>
            %shift_right_logical3A_305 = arith.shrui %scan3A_255, %shift_right_logical3A_304 : vector<16xi32>
            %or3A_306 = arith.ori %or3A, %shift_right_logical3A_305 : vector<16xi32>
            %lt3A_307 = arith.cmpi slt, %or3A_306, %broadcast_in_dim3A_5 : vector<16xi32>
            %and3A_308 = arith.andi %or3A_306, %broadcast_in_dim3A_11 : vector<16xi32>
            %not3A_309 = arith.constant dense<-1> : vector<16xi32>
            %not3A_310 = arith.xori %or3A_306, %not3A_309 : vector<16xi32>
            %select_n3A_311 = arith.select %lt3A_307, %and3A_308, %not3A_310 : vector<16xi1>, vector<16xi32>
            %bitcast_convert_type3A_312 = tpu.bitcast %select_n3A_311 : vector<16xi32> -> vector<16xf32>
            %or3A_313 = arith.ori %scan3A_254, %shift_right_logical3A_305 : vector<16xi32>
            %lt3A_314 = arith.cmpi slt, %or3A_313, %broadcast_in_dim3A_5 : vector<16xi32>
            %and3A_315 = arith.andi %or3A_313, %broadcast_in_dim3A_11 : vector<16xi32>
            %not3A_316 = arith.constant dense<-1> : vector<16xi32>
            %not3A_317 = arith.xori %or3A_313, %not3A_316 : vector<16xi32>
            %select_n3A_318 = arith.select %lt3A_314, %and3A_315, %not3A_317 : vector<16xi1>, vector<16xi32>
            %bitcast_convert_type3A_319 = tpu.bitcast %select_n3A_318 : vector<16xi32> -> vector<16xf32>
            %le3A_320 = arith.cmpi sle, %add3A_303, %sub3A : vector<16xi32>
            %select_n3A_321 = arith.select %le3A_320, %or3A, %scan3A_254 : vector<16xi1>, vector<16xi32>
            %select_n3A_322 = arith.select %le3A_320, %bitcast_convert_type3A_312, %bitcast_convert_type3A_319 : vector<16xi1>, vector<16xf32>
            scf.yield %select_n3A_321, %shift_right_logical3A_305, %select_n3A_322 : vector<16xi32>, vector<16xi32>, vector<16xf32>
          }
          %scan3A_252 = arith.constant 24 : i32
          scf.yield %scan3A_251#0 : vector<16xi32>
        } else {
          %scan3A_184 = arith.constant 0 : i32
          %scan3A_185 = arith.constant 24 : i32
          %scan3A_186 = arith.addi %scan3A_184, %scan3A_185 : i32
          %scan3A_187 = arith.constant 1 : i32
          %scan3A_188:3 = scf.for %scan3A_190 = %scan3A_184 to %scan3A_186 step %scan3A_187 iter_args(%scan3A_191 = %scan3A_94#0, %scan3A_192 = %scan3A_94#1, %scan3A_193 = %scan3A_94#2) -> (vector<16xi32>, vector<16xi32>, vector<16xf32>)  : i32 {
            %while3A = arith.constant 0 : i32
            %while3A_194 = arith.subi %reduce_max3A_172, %while3A : i32
            %while3A_195 = arith.addi %while3A, %while3A_194 : i32
            %while3A_196 = arith.constant 1 : i32
            %while3A_197 = arith.divsi %while3A_194, %while3A_196 : i32
            %while3A_198 = arith.muli %while3A_197, %while3A_196 : i32
            %while3A_199 = arith.addi %while3A, %while3A_198 : i32
            %while3A_200 = arith.constant 1 : i32
            %while3A_201 = scf.for %while3A_223 = %while3A to %while3A_199 step %while3A_200 iter_args(%while3A_224 = %broadcast_in_dim3A_5) -> (vector<16xi32>)  : i32 {
              %broadcast_in_dim3A_225 = vector.broadcast %while3A_223 : i32 to vector<16xi32>
              %add3A_226 = arith.addi %mul3A_18, %broadcast_in_dim3A_225 : vector<16xi32>
              %gather3A = tpu.vector_load_idx %arg6[%add3A_226] : memref<2064xf32, #tpu.memory_space<vmem>>[vector<16xi32>], vector<16xf32>,
              %lt3A_227 = arith.cmpf olt, %gather3A, %scan3A_193 : vector<16xf32>
              %gt3A = arith.cmpi sgt, %scan3A_164, %broadcast_in_dim3A_225 : vector<16xi32>
              %and3A_228 = arith.andi %lt3A_227, %gt3A : vector<16xi1>
              %all_reduce_population_count3A = tpu.all_reduce %and3A_228 {dim = 0 : i64, kind = #tpu.reduction_kind<sum>} : vector<16xi1> -> vector<16xi32>
              %add3A_229 = arith.addi %while3A_224, %all_reduce_population_count3A : vector<16xi32>
              scf.yield %add3A_229 : vector<16xi32>
            }
            %while3A_202 = arith.constant 1 : i32
            %while3A_203 = scf.for %while3A_223 = %while3A_199 to %while3A_195 step %while3A_202 iter_args(%while3A_224 = %while3A_201) -> (vector<16xi32>)  : i32 {
              %broadcast_in_dim3A_225 = vector.broadcast %while3A_223 : i32 to vector<16xi32>
              %add3A_226 = arith.addi %mul3A_18, %broadcast_in_dim3A_225 : vector<16xi32>
              %gather3A = tpu.vector_load_idx %arg6[%add3A_226] : memref<2064xf32, #tpu.memory_space<vmem>>[vector<16xi32>], vector<16xf32>,
              %lt3A_227 = arith.cmpf olt, %gather3A, %scan3A_193 : vector<16xf32>
              %gt3A = arith.cmpi sgt, %scan3A_164, %broadcast_in_dim3A_225 : vector<16xi32>
              %and3A_228 = arith.andi %lt3A_227, %gt3A : vector<16xi1>
              %all_reduce_population_count3A = tpu.all_reduce %and3A_228 {dim = 0 : i64, kind = #tpu.reduction_kind<sum>} : vector<16xi1> -> vector<16xi32>
              %add3A_229 = arith.addi %while3A_224, %all_reduce_population_count3A : vector<16xi32>
              scf.yield %add3A_229 : vector<16xi32>
            }
            %or3A = arith.ori %scan3A_191, %scan3A_192 : vector<16xi32>
            %shift_right_logical3A = arith.constant 1 : i32
            %shift_right_logical3A_204 = vector.broadcast %shift_right_logical3A : i32 to vector<16xi32>
            %shift_right_logical3A_205 = arith.shrui %scan3A_192, %shift_right_logical3A_204 : vector<16xi32>
            %or3A_206 = arith.ori %or3A, %shift_right_logical3A_205 : vector<16xi32>
            %lt3A_207 = arith.cmpi slt, %or3A_206, %broadcast_in_dim3A_5 : vector<16xi32>
            %and3A_208 = arith.andi %or3A_206, %broadcast_in_dim3A_11 : vector<16xi32>
            %not3A_209 = arith.constant dense<-1> : vector<16xi32>
            %not3A_210 = arith.xori %or3A_206, %not3A_209 : vector<16xi32>
            %select_n3A_211 = arith.select %lt3A_207, %and3A_208, %not3A_210 : vector<16xi1>, vector<16xi32>
            %bitcast_convert_type3A_212 = tpu.bitcast %select_n3A_211 : vector<16xi32> -> vector<16xf32>
            %or3A_213 = arith.ori %scan3A_191, %shift_right_logical3A_205 : vector<16xi32>
            %lt3A_214 = arith.cmpi slt, %or3A_213, %broadcast_in_dim3A_5 : vector<16xi32>
            %and3A_215 = arith.andi %or3A_213, %broadcast_in_dim3A_11 : vector<16xi32>
            %not3A_216 = arith.constant dense<-1> : vector<16xi32>
            %not3A_217 = arith.xori %or3A_213, %not3A_216 : vector<16xi32>
            %select_n3A_218 = arith.select %lt3A_214, %and3A_215, %not3A_217 : vector<16xi1>, vector<16xi32>
            %bitcast_convert_type3A_219 = tpu.bitcast %select_n3A_218 : vector<16xi32> -> vector<16xf32>
            %le3A_220 = arith.cmpi sle, %while3A_203, %sub3A : vector<16xi32>
            %select_n3A_221 = arith.select %le3A_220, %or3A, %scan3A_191 : vector<16xi1>, vector<16xi32>
            %select_n3A_222 = arith.select %le3A_220, %bitcast_convert_type3A_212, %bitcast_convert_type3A_219 : vector<16xi1>, vector<16xf32>
            scf.yield %select_n3A_221, %shift_right_logical3A_205, %select_n3A_222 : vector<16xi32>, vector<16xi32>, vector<16xf32>
          }
          %scan3A_189 = arith.constant 24 : i32
          scf.yield %scan3A_188#0 : vector<16xi32>
        }
        %lt3A_176 = arith.cmpi slt, %cond3A_175, %broadcast_in_dim3A_5 : vector<16xi32>
        %and3A_177 = arith.andi %cond3A_175, %broadcast_in_dim3A_11 : vector<16xi32>
        %not3A_178 = arith.constant dense<-1> : vector<16xi32>
        %not3A_179 = arith.xori %cond3A_175, %not3A_178 : vector<16xi32>
        %select_n3A_180 = arith.select %lt3A_176, %and3A_177, %not3A_179 : vector<16xi1>, vector<16xi32>
        %bitcast_convert_type3A_181 = tpu.bitcast %select_n3A_180 : vector<16xi32> -> vector<16xf32>
        %add3A_182 = arith.addi %mul3A_53, %scan3A_86 : i32
        %broadcast_in_dim3A_183 = vector.broadcast %add3A_182 : i32 to vector<16xi32>
        tpu.vector_store_idx %arg7[%broadcast_in_dim3A_183], %bitcast_convert_type3A_181 masked %eq3A : memref<512xf32, #tpu.memory_space<vmem>>[vector<16xi32>], vector<16xf32>, vector<16xi1>
      }
      %scan3A_59 = arith.constant 16 : i32
      %add3A_60 = arith.constant 0 : i32
      %add3A_61 = arith.addi %mul3A_2, %add3A_60 : i32
      %mul3A_62 = arith.constant 2048 : i32
      %mul3A_63 = arith.muli %add3A_61, %mul3A_62 : i32
      %dma_wait3A_64 = tpu.memref_slice %arg2[%mul3A_63] : memref<33554432xf32, #tpu.memory_space<hbm>> -> memref<32768xf32, #tpu.memory_space<hbm>>
      %dma_wait3A_65 = tpu.memref_slice %arg2[%mul3A_63] : memref<33554432xf32, #tpu.memory_space<hbm>> -> memref<32768xf32, #tpu.memory_space<hbm>>
      tpu.wait_dma2 semaphore(%arg9 : memref<!tpu.dma_semaphore, #tpu.memory_space<semaphore_mem>>) src(%dma_wait3A_65 : memref<32768xf32, #tpu.memory_space<hbm>>) dst(%arg5 : memref<32768xf32, #tpu.memory_space<vmem>>)
      %add3A_66 = arith.constant 2 : i32
      %add3A_67 = arith.addi %mul3A_36, %add3A_66 : i32
      %min3A = arith.constant 31 : i32
      %min3A_68 = arith.minsi %add3A_67, %min3A : i32
      %mul3A_69 = arith.constant 16 : i32
      %mul3A_70 = arith.muli %min3A_68, %mul3A_69 : i32
      %add3A_71 = arith.addi %mul3A_2, %mul3A_70 : i32
      %mul3A_72 = arith.constant 2048 : i32
      %mul3A_73 = arith.muli %add3A_71, %mul3A_72 : i32
      %dma_start3A_74 = tpu.memref_slice %arg2[%mul3A_73] : memref<33554432xf32, #tpu.memory_space<hbm>> -> memref<32768xf32, #tpu.memory_space<hbm>>
      %dma_start3A_75 = tpu.memref_slice %arg2[%mul3A_73] : memref<33554432xf32, #tpu.memory_space<hbm>> -> memref<32768xf32, #tpu.memory_space<hbm>>
      tpu.enqueue_dma source(%dma_start3A_75 : memref<32768xf32, #tpu.memory_space<hbm>>) target(%arg4 : memref<32768xf32, #tpu.memory_space<vmem>>) target_semaphore(%arg8 : memref<!tpu.dma_semaphore, #tpu.memory_space<semaphore_mem>>)
      %add3A_76 = arith.constant 1 : i32
      %add3A_77 = arith.addi %mul3A_36, %add3A_76 : i32
      %mul3A_78 = arith.constant 16 : i32
      %mul3A_79 = arith.muli %add3A_77, %mul3A_78 : i32
      %scan3A_80 = arith.constant 0 : i32
      %scan3A_81 = arith.constant 0 : i32
      %scan3A_82 = arith.constant 16 : i32
      %scan3A_83 = arith.addi %scan3A_81, %scan3A_82 : i32
      %scan3A_84 = arith.constant 1 : i32
      scf.for %scan3A_86 = %scan3A_81 to %scan3A_83 step %scan3A_84  : i32 {
        %mul3A_87 = arith.constant 2048 : i32
        %mul3A_88 = arith.muli %scan3A_86, %mul3A_87 : i32
        %lt3A = arith.cmpi slt, %broadcast_in_dim3A_9, %broadcast_in_dim3A_5 : vector<16xi32>
        %and3A = arith.andi %broadcast_in_dim3A_9, %broadcast_in_dim3A_11 : vector<16xi32>
        %not3A = arith.constant dense<-1> : vector<16xi32>
        %not3A_89 = arith.xori %broadcast_in_dim3A_9, %not3A : vector<16xi32>
        %select_n3A = arith.select %lt3A, %and3A, %not3A_89 : vector<16xi1>, vector<16xi32>
        %bitcast_convert_type3A = tpu.bitcast %select_n3A : vector<16xi32> -> vector<16xf32>
        %scan3A_90 = arith.constant 0 : i32
        %scan3A_91 = arith.constant 8 : i32
        %scan3A_92 = arith.addi %scan3A_90, %scan3A_91 : i32
        %scan3A_93 = arith.constant 1 : i32
        %scan3A_94:4 = scf.for %scan3A_184 = %scan3A_90 to %scan3A_92 step %scan3A_93 iter_args(%scan3A_185 = %broadcast_in_dim3A_5, %scan3A_186 = %broadcast_in_dim3A_9, %scan3A_187 = %bitcast_convert_type3A, %scan3A_188 = %broadcast_in_dim3A_5) -> (vector<16xi32>, vector<16xi32>, vector<16xf32>, vector<16xi32>)  : i32 {
          %or3A = arith.ori %scan3A_185, %scan3A_186 : vector<16xi32>
          %shift_right_logical3A = arith.constant 1 : i32
          %shift_right_logical3A_189 = vector.broadcast %shift_right_logical3A : i32 to vector<16xi32>
          %shift_right_logical3A_190 = arith.shrui %scan3A_186, %shift_right_logical3A_189 : vector<16xi32>
          %or3A_191 = arith.ori %or3A, %shift_right_logical3A_190 : vector<16xi32>
          %lt3A_192 = arith.cmpi slt, %or3A_191, %broadcast_in_dim3A_5 : vector<16xi32>
          %and3A_193 = arith.andi %or3A_191, %broadcast_in_dim3A_11 : vector<16xi32>
          %not3A_194 = arith.constant dense<-1> : vector<16xi32>
          %not3A_195 = arith.xori %or3A_191, %not3A_194 : vector<16xi32>
          %select_n3A_196 = arith.select %lt3A_192, %and3A_193, %not3A_195 : vector<16xi1>, vector<16xi32>
          %bitcast_convert_type3A_197 = tpu.bitcast %select_n3A_196 : vector<16xi32> -> vector<16xf32>
          %or3A_198 = arith.ori %scan3A_185, %shift_right_logical3A_190 : vector<16xi32>
          %lt3A_199 = arith.cmpi slt, %or3A_198, %broadcast_in_dim3A_5 : vector<16xi32>
          %and3A_200 = arith.andi %or3A_198, %broadcast_in_dim3A_11 : vector<16xi32>
          %not3A_201 = arith.constant dense<-1> : vector<16xi32>
          %not3A_202 = arith.xori %or3A_198, %not3A_201 : vector<16xi32>
          %select_n3A_203 = arith.select %lt3A_199, %and3A_200, %not3A_202 : vector<16xi1>, vector<16xi32>
          %bitcast_convert_type3A_204 = tpu.bitcast %select_n3A_203 : vector<16xi32> -> vector<16xf32>
          %scan3A_205 = arith.constant 0 : i32
          %scan3A_206 = arith.constant 16 : i32
          %scan3A_207 = arith.addi %scan3A_205, %scan3A_206 : i32
          %scan3A_208 = arith.constant 1 : i32
          %scan3A_209 = scf.for %scan3A_215 = %scan3A_205 to %scan3A_207 step %scan3A_208 iter_args(%scan3A_216 = %broadcast_in_dim3A_5) -> (vector<16xi32>)  : i32 {
            %mul3A_217 = arith.constant 128 : i32
            %mul3A_218 = arith.muli %scan3A_215, %mul3A_217 : i32
            %add3A_219 = arith.addi %mul3A_88, %mul3A_218 : i32
            %add3A_220 = arith.constant 0 : i32
            %add3A_221 = arith.addi %add3A_219, %add3A_220 : i32
            %get3A = arith.index_cast %add3A_221 : i32 to index
            %get3A_222 = tpu.vector_load %arg5[%get3A] {strides = array<i32>} : memref<32768xf32, #tpu.memory_space<vmem>>, vector<16xf32>,
            %lt3A_223 = arith.cmpf olt, %get3A_222, %scan3A_187 : vector<16xf32>
            %all_reduce_population_count3A = tpu.all_reduce %lt3A_223 {dim = 0 : i64, kind = #tpu.reduction_kind<sum>} : vector<16xi1> -> vector<16xi32>
            %add3A_224 = arith.addi %scan3A_216, %all_reduce_population_count3A : vector<16xi32>
            %add3A_225 = arith.constant 16 : i32
            %add3A_226 = arith.addi %add3A_219, %add3A_225 : i32
            %get3A_227 = arith.index_cast %add3A_226 : i32 to index
            %get3A_228 = tpu.vector_load %arg5[%get3A_227] {strides = array<i32>} : memref<32768xf32, #tpu.memory_space<vmem>>, vector<16xf32>,
            %lt3A_229 = arith.cmpf olt, %get3A_228, %scan3A_187 : vector<16xf32>
            %all_reduce_population_count3A_230 = tpu.all_reduce %lt3A_229 {dim = 0 : i64, kind = #tpu.reduction_kind<sum>} : vector<16xi1> -> vector<16xi32>
            %add3A_231 = arith.addi %add3A_224, %all_reduce_population_count3A_230 : vector<16xi32>
            %add3A_232 = arith.constant 32 : i32
            %add3A_233 = arith.addi %add3A_219, %add3A_232 : i32
            %get3A_234 = arith.index_cast %add3A_233 : i32 to index
            %get3A_235 = tpu.vector_load %arg5[%get3A_234] {strides = array<i32>} : memref<32768xf32, #tpu.memory_space<vmem>>, vector<16xf32>,
            %lt3A_236 = arith.cmpf olt, %get3A_235, %scan3A_187 : vector<16xf32>
            %all_reduce_population_count3A_237 = tpu.all_reduce %lt3A_236 {dim = 0 : i64, kind = #tpu.reduction_kind<sum>} : vector<16xi1> -> vector<16xi32>
            %add3A_238 = arith.addi %add3A_231, %all_reduce_population_count3A_237 : vector<16xi32>
            %add3A_239 = arith.constant 48 : i32
            %add3A_240 = arith.addi %add3A_219, %add3A_239 : i32
            %get3A_241 = arith.index_cast %add3A_240 : i32 to index
            %get3A_242 = tpu.vector_load %arg5[%get3A_241] {strides = array<i32>} : memref<32768xf32, #tpu.memory_space<vmem>>, vector<16xf32>,
            %lt3A_243 = arith.cmpf olt, %get3A_242, %scan3A_187 : vector<16xf32>
            %all_reduce_population_count3A_244 = tpu.all_reduce %lt3A_243 {dim = 0 : i64, kind = #tpu.reduction_kind<sum>} : vector<16xi1> -> vector<16xi32>
            %add3A_245 = arith.addi %add3A_238, %all_reduce_population_count3A_244 : vector<16xi32>
            %add3A_246 = arith.constant 64 : i32
            %add3A_247 = arith.addi %add3A_219, %add3A_246 : i32
            %get3A_248 = arith.index_cast %add3A_247 : i32 to index
            %get3A_249 = tpu.vector_load %arg5[%get3A_248] {strides = array<i32>} : memref<32768xf32, #tpu.memory_space<vmem>>, vector<16xf32>,
            %lt3A_250 = arith.cmpf olt, %get3A_249, %scan3A_187 : vector<16xf32>
            %all_reduce_population_count3A_251 = tpu.all_reduce %lt3A_250 {dim = 0 : i64, kind = #tpu.reduction_kind<sum>} : vector<16xi1> -> vector<16xi32>
            %add3A_252 = arith.addi %add3A_245, %all_reduce_population_count3A_251 : vector<16xi32>
            %add3A_253 = arith.constant 80 : i32
            %add3A_254 = arith.addi %add3A_219, %add3A_253 : i32
            %get3A_255 = arith.index_cast %add3A_254 : i32 to index
            %get3A_256 = tpu.vector_load %arg5[%get3A_255] {strides = array<i32>} : memref<32768xf32, #tpu.memory_space<vmem>>, vector<16xf32>,
            %lt3A_257 = arith.cmpf olt, %get3A_256, %scan3A_187 : vector<16xf32>
            %all_reduce_population_count3A_258 = tpu.all_reduce %lt3A_257 {dim = 0 : i64, kind = #tpu.reduction_kind<sum>} : vector<16xi1> -> vector<16xi32>
            %add3A_259 = arith.addi %add3A_252, %all_reduce_population_count3A_258 : vector<16xi32>
            %add3A_260 = arith.constant 96 : i32
            %add3A_261 = arith.addi %add3A_219, %add3A_260 : i32
            %get3A_262 = arith.index_cast %add3A_261 : i32 to index
            %get3A_263 = tpu.vector_load %arg5[%get3A_262] {strides = array<i32>} : memref<32768xf32, #tpu.memory_space<vmem>>, vector<16xf32>,
            %lt3A_264 = arith.cmpf olt, %get3A_263, %scan3A_187 : vector<16xf32>
            %all_reduce_population_count3A_265 = tpu.all_reduce %lt3A_264 {dim = 0 : i64, kind = #tpu.reduction_kind<sum>} : vector<16xi1> -> vector<16xi32>
            %add3A_266 = arith.addi %add3A_259, %all_reduce_population_count3A_265 : vector<16xi32>
            %add3A_267 = arith.constant 112 : i32
            %add3A_268 = arith.addi %add3A_219, %add3A_267 : i32
            %get3A_269 = arith.index_cast %add3A_268 : i32 to index
            %get3A_270 = tpu.vector_load %arg5[%get3A_269] {strides = array<i32>} : memref<32768xf32, #tpu.memory_space<vmem>>, vector<16xf32>,
            %lt3A_271 = arith.cmpf olt, %get3A_270, %scan3A_187 : vector<16xf32>
            %all_reduce_population_count3A_272 = tpu.all_reduce %lt3A_271 {dim = 0 : i64, kind = #tpu.reduction_kind<sum>} : vector<16xi1> -> vector<16xi32>
            %add3A_273 = arith.addi %add3A_266, %all_reduce_population_count3A_272 : vector<16xi32>
            scf.yield %add3A_273 : vector<16xi32>
          }
          %scan3A_210 = arith.constant 16 : i32
          %le3A_211 = arith.cmpi sle, %scan3A_209, %broadcast_in_dim3A_3 : vector<16xi32>
          %select_n3A_212 = arith.select %le3A_211, %or3A, %scan3A_185 : vector<16xi1>, vector<16xi32>
          %select_n3A_213 = arith.select %le3A_211, %bitcast_convert_type3A_197, %bitcast_convert_type3A_204 : vector<16xi1>, vector<16xf32>
          %select_n3A_214 = arith.select %le3A_211, %scan3A_209, %scan3A_188 : vector<16xi1>, vector<16xi32>
          scf.yield %select_n3A_212, %shift_right_logical3A_190, %select_n3A_213, %select_n3A_214 : vector<16xi32>, vector<16xi32>, vector<16xf32>, vector<16xi32>
        }
        %scan3A_95 = arith.constant 8 : i32
        %sub3A = arith.subi %broadcast_in_dim3A_3, %scan3A_94#3 : vector<16xi32>
        %broadcast_in_dim3A_96 = arith.constant 0 : i32
        %broadcast_in_dim3A_97 = vector.broadcast %broadcast_in_dim3A_96 : i32 to vector<16xi32>
        %add3A_98 = arith.addi %mul3A_18, %broadcast_in_dim3A_97 : vector<16xi32>
        tpu.vector_store_idx %arg6[%add3A_98], %broadcast_in_dim3A_15 : memref<2064xf32, #tpu.memory_space<vmem>>[vector<16xi32>], vector<16xf32>,
        %broadcast_in_dim3A_99 = arith.constant 1 : i32
        %broadcast_in_dim3A_100 = vector.broadcast %broadcast_in_dim3A_99 : i32 to vector<16xi32>
        %add3A_101 = arith.addi %mul3A_18, %broadcast_in_dim3A_100 : vector<16xi32>
        tpu.vector_store_idx %arg6[%add3A_101], %broadcast_in_dim3A_15 : memref<2064xf32, #tpu.memory_space<vmem>>[vector<16xi32>], vector<16xf32>,
        %broadcast_in_dim3A_102 = arith.constant 2 : i32
        %broadcast_in_dim3A_103 = vector.broadcast %broadcast_in_dim3A_102 : i32 to vector<16xi32>
        %add3A_104 = arith.addi %mul3A_18, %broadcast_in_dim3A_103 : vector<16xi32>
        tpu.vector_store_idx %arg6[%add3A_104], %broadcast_in_dim3A_15 : memref<2064xf32, #tpu.memory_space<vmem>>[vector<16xi32>], vector<16xf32>,
        %broadcast_in_dim3A_105 = arith.constant 3 : i32
        %broadcast_in_dim3A_106 = vector.broadcast %broadcast_in_dim3A_105 : i32 to vector<16xi32>
        %add3A_107 = arith.addi %mul3A_18, %broadcast_in_dim3A_106 : vector<16xi32>
        tpu.vector_store_idx %arg6[%add3A_107], %broadcast_in_dim3A_15 : memref<2064xf32, #tpu.memory_space<vmem>>[vector<16xi32>], vector<16xf32>,
        %broadcast_in_dim3A_108 = arith.constant 4 : i32
        %broadcast_in_dim3A_109 = vector.broadcast %broadcast_in_dim3A_108 : i32 to vector<16xi32>
        %add3A_110 = arith.addi %mul3A_18, %broadcast_in_dim3A_109 : vector<16xi32>
        tpu.vector_store_idx %arg6[%add3A_110], %broadcast_in_dim3A_15 : memref<2064xf32, #tpu.memory_space<vmem>>[vector<16xi32>], vector<16xf32>,
        %broadcast_in_dim3A_111 = arith.constant 5 : i32
        %broadcast_in_dim3A_112 = vector.broadcast %broadcast_in_dim3A_111 : i32 to vector<16xi32>
        %add3A_113 = arith.addi %mul3A_18, %broadcast_in_dim3A_112 : vector<16xi32>
        tpu.vector_store_idx %arg6[%add3A_113], %broadcast_in_dim3A_15 : memref<2064xf32, #tpu.memory_space<vmem>>[vector<16xi32>], vector<16xf32>,
        %broadcast_in_dim3A_114 = arith.constant 6 : i32
        %broadcast_in_dim3A_115 = vector.broadcast %broadcast_in_dim3A_114 : i32 to vector<16xi32>
        %add3A_116 = arith.addi %mul3A_18, %broadcast_in_dim3A_115 : vector<16xi32>
        tpu.vector_store_idx %arg6[%add3A_116], %broadcast_in_dim3A_15 : memref<2064xf32, #tpu.memory_space<vmem>>[vector<16xi32>], vector<16xf32>,
        %broadcast_in_dim3A_117 = arith.constant 7 : i32
        %broadcast_in_dim3A_118 = vector.broadcast %broadcast_in_dim3A_117 : i32 to vector<16xi32>
        %add3A_119 = arith.addi %mul3A_18, %broadcast_in_dim3A_118 : vector<16xi32>
        tpu.vector_store_idx %arg6[%add3A_119], %broadcast_in_dim3A_15 : memref<2064xf32, #tpu.memory_space<vmem>>[vector<16xi32>], vector<16xf32>,
        %broadcast_in_dim3A_120 = arith.constant 8 : i32
        %broadcast_in_dim3A_121 = vector.broadcast %broadcast_in_dim3A_120 : i32 to vector<16xi32>
        %add3A_122 = arith.addi %mul3A_18, %broadcast_in_dim3A_121 : vector<16xi32>
        tpu.vector_store_idx %arg6[%add3A_122], %broadcast_in_dim3A_15 : memref<2064xf32, #tpu.memory_space<vmem>>[vector<16xi32>], vector<16xf32>,
        %broadcast_in_dim3A_123 = arith.constant 9 : i32
        %broadcast_in_dim3A_124 = vector.broadcast %broadcast_in_dim3A_123 : i32 to vector<16xi32>
        %add3A_125 = arith.addi %mul3A_18, %broadcast_in_dim3A_124 : vector<16xi32>
        tpu.vector_store_idx %arg6[%add3A_125], %broadcast_in_dim3A_15 : memref<2064xf32, #tpu.memory_space<vmem>>[vector<16xi32>], vector<16xf32>,
        %broadcast_in_dim3A_126 = arith.constant 10 : i32
        %broadcast_in_dim3A_127 = vector.broadcast %broadcast_in_dim3A_126 : i32 to vector<16xi32>
        %add3A_128 = arith.addi %mul3A_18, %broadcast_in_dim3A_127 : vector<16xi32>
        tpu.vector_store_idx %arg6[%add3A_128], %broadcast_in_dim3A_15 : memref<2064xf32, #tpu.memory_space<vmem>>[vector<16xi32>], vector<16xf32>,
        %broadcast_in_dim3A_129 = arith.constant 11 : i32
        %broadcast_in_dim3A_130 = vector.broadcast %broadcast_in_dim3A_129 : i32 to vector<16xi32>
        %add3A_131 = arith.addi %mul3A_18, %broadcast_in_dim3A_130 : vector<16xi32>
        tpu.vector_store_idx %arg6[%add3A_131], %broadcast_in_dim3A_15 : memref<2064xf32, #tpu.memory_space<vmem>>[vector<16xi32>], vector<16xf32>,
        %broadcast_in_dim3A_132 = arith.constant 12 : i32
        %broadcast_in_dim3A_133 = vector.broadcast %broadcast_in_dim3A_132 : i32 to vector<16xi32>
        %add3A_134 = arith.addi %mul3A_18, %broadcast_in_dim3A_133 : vector<16xi32>
        tpu.vector_store_idx %arg6[%add3A_134], %broadcast_in_dim3A_15 : memref<2064xf32, #tpu.memory_space<vmem>>[vector<16xi32>], vector<16xf32>,
        %broadcast_in_dim3A_135 = arith.constant 13 : i32
        %broadcast_in_dim3A_136 = vector.broadcast %broadcast_in_dim3A_135 : i32 to vector<16xi32>
        %add3A_137 = arith.addi %mul3A_18, %broadcast_in_dim3A_136 : vector<16xi32>
        tpu.vector_store_idx %arg6[%add3A_137], %broadcast_in_dim3A_15 : memref<2064xf32, #tpu.memory_space<vmem>>[vector<16xi32>], vector<16xf32>,
        %broadcast_in_dim3A_138 = arith.constant 14 : i32
        %broadcast_in_dim3A_139 = vector.broadcast %broadcast_in_dim3A_138 : i32 to vector<16xi32>
        %add3A_140 = arith.addi %mul3A_18, %broadcast_in_dim3A_139 : vector<16xi32>
        tpu.vector_store_idx %arg6[%add3A_140], %broadcast_in_dim3A_15 : memref<2064xf32, #tpu.memory_space<vmem>>[vector<16xi32>], vector<16xf32>,
        %broadcast_in_dim3A_141 = arith.constant 15 : i32
        %broadcast_in_dim3A_142 = vector.broadcast %broadcast_in_dim3A_141 : i32 to vector<16xi32>
        %add3A_143 = arith.addi %mul3A_18, %broadcast_in_dim3A_142 : vector<16xi32>
        tpu.vector_store_idx %arg6[%add3A_143], %broadcast_in_dim3A_15 : memref<2064xf32, #tpu.memory_space<vmem>>[vector<16xi32>], vector<16xf32>,
        %lt3A_144 = arith.cmpi slt, %scan3A_94#0, %broadcast_in_dim3A_5 : vector<16xi32>
        %and3A_145 = arith.andi %scan3A_94#0, %broadcast_in_dim3A_11 : vector<16xi32>
        %not3A_146 = arith.constant dense<-1> : vector<16xi32>
        %not3A_147 = arith.xori %scan3A_94#0, %not3A_146 : vector<16xi32>
        %select_n3A_148 = arith.select %lt3A_144, %and3A_145, %not3A_147 : vector<16xi1>, vector<16xi32>
        %bitcast_convert_type3A_149 = tpu.bitcast %select_n3A_148 : vector<16xi32> -> vector<16xf32>
        %broadcast_in_dim3A_150 = arith.constant 16777216 : i32
        %broadcast_in_dim3A_151 = vector.broadcast %broadcast_in_dim3A_150 : i32 to vector<16xi32>
        %add3A_152 = arith.addi %scan3A_94#0, %broadcast_in_dim3A_151 : vector<16xi32>
        %lt3A_153 = arith.cmpi slt, %add3A_152, %broadcast_in_dim3A_5 : vector<16xi32>
        %and3A_154 = arith.andi %add3A_152, %broadcast_in_dim3A_11 : vector<16xi32>
        %not3A_155 = arith.constant dense<-1> : vector<16xi32>
        %not3A_156 = arith.xori %add3A_152, %not3A_155 : vector<16xi32>
        %select_n3A_157 = arith.select %lt3A_153, %and3A_154, %not3A_156 : vector<16xi1>, vector<16xi32>
        %bitcast_convert_type3A_158 = tpu.bitcast %select_n3A_157 : vector<16xi32> -> vector<16xf32>
        %eq3A_159 = arith.cmpi eq, %scan3A_94#0, %broadcast_in_dim3A_13 : vector<16xi32>
        %scan3A_160 = arith.constant 0 : i32
        %scan3A_161 = arith.constant 16 : i32
        %scan3A_162 = arith.addi %scan3A_160, %scan3A_161 : i32
        %scan3A_163 = arith.constant 1 : i32
        %scan3A_164 = scf.for %scan3A_184 = %scan3A_160 to %scan3A_162 step %scan3A_163 iter_args(%scan3A_185 = %broadcast_in_dim3A_5) -> (vector<16xi32>)  : i32 {
          %mul3A_186 = arith.constant 8 : i32
          %mul3A_187 = arith.muli %scan3A_184, %mul3A_186 : i32
          %add3A_188 = arith.constant 0 : i32
          %add3A_189 = arith.addi %mul3A_187, %add3A_188 : i32
          %mul3A_190 = arith.constant 16 : i32
          %mul3A_191 = arith.muli %add3A_189, %mul3A_190 : i32
          %add3A_192 = arith.addi %mul3A_88, %mul3A_191 : i32
          %get3A = arith.index_cast %add3A_192 : i32 to index
          %get3A_193 = tpu.vector_load %arg5[%get3A] {strides = array<i32>} : memref<32768xf32, #tpu.memory_space<vmem>>, vector<16xf32>,
          %lt3A_194 = arith.cmpf olt, %get3A_193, %bitcast_convert_type3A_149 : vector<16xf32>
          %not3A_195 = arith.constant dense<true> : vector<16xi1>
          %not3A_196 = arith.xori %lt3A_194, %not3A_195 : vector<16xi1>
          %lt3A_197 = arith.cmpf olt, %get3A_193, %bitcast_convert_type3A_158 : vector<16xf32>
          %or3A = arith.ori %lt3A_197, %eq3A_159 : vector<16xi1>
          %and3A_198 = arith.andi %not3A_196, %or3A : vector<16xi1>
          %mul3A_199 = arith.constant 8 : i32
          %mul3A_200 = arith.muli %scan3A_184, %mul3A_199 : i32
          %add3A_201 = arith.constant 1 : i32
          %add3A_202 = arith.addi %mul3A_200, %add3A_201 : i32
          %mul3A_203 = arith.constant 16 : i32
          %mul3A_204 = arith.muli %add3A_202, %mul3A_203 : i32
          %add3A_205 = arith.addi %mul3A_88, %mul3A_204 : i32
          %get3A_206 = arith.index_cast %add3A_205 : i32 to index
          %get3A_207 = tpu.vector_load %arg5[%get3A_206] {strides = array<i32>} : memref<32768xf32, #tpu.memory_space<vmem>>, vector<16xf32>,
          %lt3A_208 = arith.cmpf olt, %get3A_207, %bitcast_convert_type3A_149 : vector<16xf32>
          %not3A_209 = arith.constant dense<true> : vector<16xi1>
          %not3A_210 = arith.xori %lt3A_208, %not3A_209 : vector<16xi1>
          %lt3A_211 = arith.cmpf olt, %get3A_207, %bitcast_convert_type3A_158 : vector<16xf32>
          %or3A_212 = arith.ori %lt3A_211, %eq3A_159 : vector<16xi1>
          %and3A_213 = arith.andi %not3A_210, %or3A_212 : vector<16xi1>
          %mul3A_214 = arith.constant 8 : i32
          %mul3A_215 = arith.muli %scan3A_184, %mul3A_214 : i32
          %add3A_216 = arith.constant 2 : i32
          %add3A_217 = arith.addi %mul3A_215, %add3A_216 : i32
          %mul3A_218 = arith.constant 16 : i32
          %mul3A_219 = arith.muli %add3A_217, %mul3A_218 : i32
          %add3A_220 = arith.addi %mul3A_88, %mul3A_219 : i32
          %get3A_221 = arith.index_cast %add3A_220 : i32 to index
          %get3A_222 = tpu.vector_load %arg5[%get3A_221] {strides = array<i32>} : memref<32768xf32, #tpu.memory_space<vmem>>, vector<16xf32>,
          %lt3A_223 = arith.cmpf olt, %get3A_222, %bitcast_convert_type3A_149 : vector<16xf32>
          %not3A_224 = arith.constant dense<true> : vector<16xi1>
          %not3A_225 = arith.xori %lt3A_223, %not3A_224 : vector<16xi1>
          %lt3A_226 = arith.cmpf olt, %get3A_222, %bitcast_convert_type3A_158 : vector<16xf32>
          %or3A_227 = arith.ori %lt3A_226, %eq3A_159 : vector<16xi1>
          %and3A_228 = arith.andi %not3A_225, %or3A_227 : vector<16xi1>
          %mul3A_229 = arith.constant 8 : i32
          %mul3A_230 = arith.muli %scan3A_184, %mul3A_229 : i32
          %add3A_231 = arith.constant 3 : i32
          %add3A_232 = arith.addi %mul3A_230, %add3A_231 : i32
          %mul3A_233 = arith.constant 16 : i32
          %mul3A_234 = arith.muli %add3A_232, %mul3A_233 : i32
          %add3A_235 = arith.addi %mul3A_88, %mul3A_234 : i32
          %get3A_236 = arith.index_cast %add3A_235 : i32 to index
          %get3A_237 = tpu.vector_load %arg5[%get3A_236] {strides = array<i32>} : memref<32768xf32, #tpu.memory_space<vmem>>, vector<16xf32>,
          %lt3A_238 = arith.cmpf olt, %get3A_237, %bitcast_convert_type3A_149 : vector<16xf32>
          %not3A_239 = arith.constant dense<true> : vector<16xi1>
          %not3A_240 = arith.xori %lt3A_238, %not3A_239 : vector<16xi1>
          %lt3A_241 = arith.cmpf olt, %get3A_237, %bitcast_convert_type3A_158 : vector<16xf32>
          %or3A_242 = arith.ori %lt3A_241, %eq3A_159 : vector<16xi1>
          %and3A_243 = arith.andi %not3A_240, %or3A_242 : vector<16xi1>
          %mul3A_244 = arith.constant 8 : i32
          %mul3A_245 = arith.muli %scan3A_184, %mul3A_244 : i32
          %add3A_246 = arith.constant 4 : i32
          %add3A_247 = arith.addi %mul3A_245, %add3A_246 : i32
          %mul3A_248 = arith.constant 16 : i32
          %mul3A_249 = arith.muli %add3A_247, %mul3A_248 : i32
          %add3A_250 = arith.addi %mul3A_88, %mul3A_249 : i32
          %get3A_251 = arith.index_cast %add3A_250 : i32 to index
          %get3A_252 = tpu.vector_load %arg5[%get3A_251] {strides = array<i32>} : memref<32768xf32, #tpu.memory_space<vmem>>, vector<16xf32>,
          %lt3A_253 = arith.cmpf olt, %get3A_252, %bitcast_convert_type3A_149 : vector<16xf32>
          %not3A_254 = arith.constant dense<true> : vector<16xi1>
          %not3A_255 = arith.xori %lt3A_253, %not3A_254 : vector<16xi1>
          %lt3A_256 = arith.cmpf olt, %get3A_252, %bitcast_convert_type3A_158 : vector<16xf32>
          %or3A_257 = arith.ori %lt3A_256, %eq3A_159 : vector<16xi1>
          %and3A_258 = arith.andi %not3A_255, %or3A_257 : vector<16xi1>
          %mul3A_259 = arith.constant 8 : i32
          %mul3A_260 = arith.muli %scan3A_184, %mul3A_259 : i32
          %add3A_261 = arith.constant 5 : i32
          %add3A_262 = arith.addi %mul3A_260, %add3A_261 : i32
          %mul3A_263 = arith.constant 16 : i32
          %mul3A_264 = arith.muli %add3A_262, %mul3A_263 : i32
          %add3A_265 = arith.addi %mul3A_88, %mul3A_264 : i32
          %get3A_266 = arith.index_cast %add3A_265 : i32 to index
          %get3A_267 = tpu.vector_load %arg5[%get3A_266] {strides = array<i32>} : memref<32768xf32, #tpu.memory_space<vmem>>, vector<16xf32>,
          %lt3A_268 = arith.cmpf olt, %get3A_267, %bitcast_convert_type3A_149 : vector<16xf32>
          %not3A_269 = arith.constant dense<true> : vector<16xi1>
          %not3A_270 = arith.xori %lt3A_268, %not3A_269 : vector<16xi1>
          %lt3A_271 = arith.cmpf olt, %get3A_267, %bitcast_convert_type3A_158 : vector<16xf32>
          %or3A_272 = arith.ori %lt3A_271, %eq3A_159 : vector<16xi1>
          %and3A_273 = arith.andi %not3A_270, %or3A_272 : vector<16xi1>
          %mul3A_274 = arith.constant 8 : i32
          %mul3A_275 = arith.muli %scan3A_184, %mul3A_274 : i32
          %add3A_276 = arith.constant 6 : i32
          %add3A_277 = arith.addi %mul3A_275, %add3A_276 : i32
          %mul3A_278 = arith.constant 16 : i32
          %mul3A_279 = arith.muli %add3A_277, %mul3A_278 : i32
          %add3A_280 = arith.addi %mul3A_88, %mul3A_279 : i32
          %get3A_281 = arith.index_cast %add3A_280 : i32 to index
          %get3A_282 = tpu.vector_load %arg5[%get3A_281] {strides = array<i32>} : memref<32768xf32, #tpu.memory_space<vmem>>, vector<16xf32>,
          %lt3A_283 = arith.cmpf olt, %get3A_282, %bitcast_convert_type3A_149 : vector<16xf32>
          %not3A_284 = arith.constant dense<true> : vector<16xi1>
          %not3A_285 = arith.xori %lt3A_283, %not3A_284 : vector<16xi1>
          %lt3A_286 = arith.cmpf olt, %get3A_282, %bitcast_convert_type3A_158 : vector<16xf32>
          %or3A_287 = arith.ori %lt3A_286, %eq3A_159 : vector<16xi1>
          %and3A_288 = arith.andi %not3A_285, %or3A_287 : vector<16xi1>
          %mul3A_289 = arith.constant 8 : i32
          %mul3A_290 = arith.muli %scan3A_184, %mul3A_289 : i32
          %add3A_291 = arith.constant 7 : i32
          %add3A_292 = arith.addi %mul3A_290, %add3A_291 : i32
          %mul3A_293 = arith.constant 16 : i32
          %mul3A_294 = arith.muli %add3A_292, %mul3A_293 : i32
          %add3A_295 = arith.addi %mul3A_88, %mul3A_294 : i32
          %get3A_296 = arith.index_cast %add3A_295 : i32 to index
          %get3A_297 = tpu.vector_load %arg5[%get3A_296] {strides = array<i32>} : memref<32768xf32, #tpu.memory_space<vmem>>, vector<16xf32>,
          %lt3A_298 = arith.cmpf olt, %get3A_297, %bitcast_convert_type3A_149 : vector<16xf32>
          %not3A_299 = arith.constant dense<true> : vector<16xi1>
          %not3A_300 = arith.xori %lt3A_298, %not3A_299 : vector<16xi1>
          %lt3A_301 = arith.cmpf olt, %get3A_297, %bitcast_convert_type3A_158 : vector<16xf32>
          %or3A_302 = arith.ori %lt3A_301, %eq3A_159 : vector<16xi1>
          %and3A_303 = arith.andi %not3A_300, %or3A_302 : vector<16xi1>
          %add3A_304 = arith.addi %mul3A_18, %scan3A_185 : vector<16xi32>
          %select_n3A_305 = arith.select %and3A_198, %broadcast_in_dim3A_7, %broadcast_in_dim3A_5 : vector<16xi1>, vector<16xi32>
          %add3A_306 = arith.addi %scan3A_185, %select_n3A_305 : vector<16xi32>
          %add3A_307 = arith.addi %mul3A_18, %add3A_306 : vector<16xi32>
          %select_n3A_308 = arith.select %and3A_213, %broadcast_in_dim3A_7, %broadcast_in_dim3A_5 : vector<16xi1>, vector<16xi32>
          %add3A_309 = arith.addi %add3A_306, %select_n3A_308 : vector<16xi32>
          %add3A_310 = arith.addi %mul3A_18, %add3A_309 : vector<16xi32>
          %select_n3A_311 = arith.select %and3A_228, %broadcast_in_dim3A_7, %broadcast_in_dim3A_5 : vector<16xi1>, vector<16xi32>
          %add3A_312 = arith.addi %add3A_309, %select_n3A_311 : vector<16xi32>
          %add3A_313 = arith.addi %mul3A_18, %add3A_312 : vector<16xi32>
          %select_n3A_314 = arith.select %and3A_243, %broadcast_in_dim3A_7, %broadcast_in_dim3A_5 : vector<16xi1>, vector<16xi32>
          %add3A_315 = arith.addi %add3A_312, %select_n3A_314 : vector<16xi32>
          %add3A_316 = arith.addi %mul3A_18, %add3A_315 : vector<16xi32>
          %select_n3A_317 = arith.select %and3A_258, %broadcast_in_dim3A_7, %broadcast_in_dim3A_5 : vector<16xi1>, vector<16xi32>
          %add3A_318 = arith.addi %add3A_315, %select_n3A_317 : vector<16xi32>
          %add3A_319 = arith.addi %mul3A_18, %add3A_318 : vector<16xi32>
          %select_n3A_320 = arith.select %and3A_273, %broadcast_in_dim3A_7, %broadcast_in_dim3A_5 : vector<16xi1>, vector<16xi32>
          %add3A_321 = arith.addi %add3A_318, %select_n3A_320 : vector<16xi32>
          %add3A_322 = arith.addi %mul3A_18, %add3A_321 : vector<16xi32>
          %select_n3A_323 = arith.select %and3A_288, %broadcast_in_dim3A_7, %broadcast_in_dim3A_5 : vector<16xi1>, vector<16xi32>
          %add3A_324 = arith.addi %add3A_321, %select_n3A_323 : vector<16xi32>
          %add3A_325 = arith.addi %mul3A_18, %add3A_324 : vector<16xi32>
          %select_n3A_326 = arith.select %and3A_303, %broadcast_in_dim3A_7, %broadcast_in_dim3A_5 : vector<16xi1>, vector<16xi32>
          %add3A_327 = arith.addi %add3A_324, %select_n3A_326 : vector<16xi32>
          tpu.vector_store_idx %arg6[%add3A_304], %get3A_193 masked %and3A_198 : memref<2064xf32, #tpu.memory_space<vmem>>[vector<16xi32>], vector<16xf32>, vector<16xi1>
          tpu.vector_store_idx %arg6[%add3A_307], %get3A_207 masked %and3A_213 : memref<2064xf32, #tpu.memory_space<vmem>>[vector<16xi32>], vector<16xf32>, vector<16xi1>
          tpu.vector_store_idx %arg6[%add3A_310], %get3A_222 masked %and3A_228 : memref<2064xf32, #tpu.memory_space<vmem>>[vector<16xi32>], vector<16xf32>, vector<16xi1>
          tpu.vector_store_idx %arg6[%add3A_313], %get3A_237 masked %and3A_243 : memref<2064xf32, #tpu.memory_space<vmem>>[vector<16xi32>], vector<16xf32>, vector<16xi1>
          tpu.vector_store_idx %arg6[%add3A_316], %get3A_252 masked %and3A_258 : memref<2064xf32, #tpu.memory_space<vmem>>[vector<16xi32>], vector<16xf32>, vector<16xi1>
          tpu.vector_store_idx %arg6[%add3A_319], %get3A_267 masked %and3A_273 : memref<2064xf32, #tpu.memory_space<vmem>>[vector<16xi32>], vector<16xf32>, vector<16xi1>
          tpu.vector_store_idx %arg6[%add3A_322], %get3A_282 masked %and3A_288 : memref<2064xf32, #tpu.memory_space<vmem>>[vector<16xi32>], vector<16xf32>, vector<16xi1>
          tpu.vector_store_idx %arg6[%add3A_325], %get3A_297 masked %and3A_303 : memref<2064xf32, #tpu.memory_space<vmem>>[vector<16xi32>], vector<16xf32>, vector<16xi1>
          scf.yield %add3A_327 : vector<16xi32>
        }
        %scan3A_165 = arith.constant 16 : i32
        %reduce_max3A = arith.constant true
        %reduce_max3A_166 = vector.broadcast %reduce_max3A : i1 to vector<16xi1>
        %reduce_max3A_167 = arith.constant -2147483648 : i32
        %reduce_max3A_168 = vector.broadcast %reduce_max3A_167 : i32 to vector<16xi32>
        %reduce_max3A_169 = arith.xori %scan3A_164, %reduce_max3A_168 : vector<16xi32>
        %reduce_max3A_170 = tpu.scan <max>, %reduce_max3A_169 masked %reduce_max3A_166 : vector<16xi32>, vector<16xi1> -> vector<16xi32>
        %reduce_max3A_171 = arith.xori %reduce_max3A_170, %reduce_max3A_168 : vector<16xi32>
        %reduce_max3A_172 = vector.extract %reduce_max3A_171[15] : i32 from vector<16xi32>
        %le3A = arith.constant 16 : i32
        %le3A_173 = arith.cmpi sle, %reduce_max3A_172, %le3A : i32
        %convert_element_type3A = arith.extui %le3A_173 : i1 to i32
        %cond3A = arith.constant 0 : i32
        %cond3A_174 = arith.cmpi ne, %convert_element_type3A, %cond3A : i32
        %cond3A_175 = scf.if %cond3A_174 -> (vector<16xi32>) {
          %broadcast_in_dim3A_184 = arith.constant 0 : i32
          %broadcast_in_dim3A_185 = vector.broadcast %broadcast_in_dim3A_184 : i32 to vector<16xi32>
          %add3A_186 = arith.addi %mul3A_18, %broadcast_in_dim3A_185 : vector<16xi32>
          %gather3A = tpu.vector_load_idx %arg6[%add3A_186] : memref<2064xf32, #tpu.memory_space<vmem>>[vector<16xi32>], vector<16xf32>,
          %broadcast_in_dim3A_187 = arith.constant 1 : i32
          %broadcast_in_dim3A_188 = vector.broadcast %broadcast_in_dim3A_187 : i32 to vector<16xi32>
          %add3A_189 = arith.addi %mul3A_18, %broadcast_in_dim3A_188 : vector<16xi32>
          %gather3A_190 = tpu.vector_load_idx %arg6[%add3A_189] : memref<2064xf32, #tpu.memory_space<vmem>>[vector<16xi32>], vector<16xf32>,
          %broadcast_in_dim3A_191 = arith.constant 2 : i32
          %broadcast_in_dim3A_192 = vector.broadcast %broadcast_in_dim3A_191 : i32 to vector<16xi32>
          %add3A_193 = arith.addi %mul3A_18, %broadcast_in_dim3A_192 : vector<16xi32>
          %gather3A_194 = tpu.vector_load_idx %arg6[%add3A_193] : memref<2064xf32, #tpu.memory_space<vmem>>[vector<16xi32>], vector<16xf32>,
          %broadcast_in_dim3A_195 = arith.constant 3 : i32
          %broadcast_in_dim3A_196 = vector.broadcast %broadcast_in_dim3A_195 : i32 to vector<16xi32>
          %add3A_197 = arith.addi %mul3A_18, %broadcast_in_dim3A_196 : vector<16xi32>
          %gather3A_198 = tpu.vector_load_idx %arg6[%add3A_197] : memref<2064xf32, #tpu.memory_space<vmem>>[vector<16xi32>], vector<16xf32>,
          %broadcast_in_dim3A_199 = arith.constant 4 : i32
          %broadcast_in_dim3A_200 = vector.broadcast %broadcast_in_dim3A_199 : i32 to vector<16xi32>
          %add3A_201 = arith.addi %mul3A_18, %broadcast_in_dim3A_200 : vector<16xi32>
          %gather3A_202 = tpu.vector_load_idx %arg6[%add3A_201] : memref<2064xf32, #tpu.memory_space<vmem>>[vector<16xi32>], vector<16xf32>,
          %broadcast_in_dim3A_203 = arith.constant 5 : i32
          %broadcast_in_dim3A_204 = vector.broadcast %broadcast_in_dim3A_203 : i32 to vector<16xi32>
          %add3A_205 = arith.addi %mul3A_18, %broadcast_in_dim3A_204 : vector<16xi32>
          %gather3A_206 = tpu.vector_load_idx %arg6[%add3A_205] : memref<2064xf32, #tpu.memory_space<vmem>>[vector<16xi32>], vector<16xf32>,
          %broadcast_in_dim3A_207 = arith.constant 6 : i32
          %broadcast_in_dim3A_208 = vector.broadcast %broadcast_in_dim3A_207 : i32 to vector<16xi32>
          %add3A_209 = arith.addi %mul3A_18, %broadcast_in_dim3A_208 : vector<16xi32>
          %gather3A_210 = tpu.vector_load_idx %arg6[%add3A_209] : memref<2064xf32, #tpu.memory_space<vmem>>[vector<16xi32>], vector<16xf32>,
          %broadcast_in_dim3A_211 = arith.constant 7 : i32
          %broadcast_in_dim3A_212 = vector.broadcast %broadcast_in_dim3A_211 : i32 to vector<16xi32>
          %add3A_213 = arith.addi %mul3A_18, %broadcast_in_dim3A_212 : vector<16xi32>
          %gather3A_214 = tpu.vector_load_idx %arg6[%add3A_213] : memref<2064xf32, #tpu.memory_space<vmem>>[vector<16xi32>], vector<16xf32>,
          %broadcast_in_dim3A_215 = arith.constant 8 : i32
          %broadcast_in_dim3A_216 = vector.broadcast %broadcast_in_dim3A_215 : i32 to vector<16xi32>
          %add3A_217 = arith.addi %mul3A_18, %broadcast_in_dim3A_216 : vector<16xi32>
          %gather3A_218 = tpu.vector_load_idx %arg6[%add3A_217] : memref<2064xf32, #tpu.memory_space<vmem>>[vector<16xi32>], vector<16xf32>,
          %broadcast_in_dim3A_219 = arith.constant 9 : i32
          %broadcast_in_dim3A_220 = vector.broadcast %broadcast_in_dim3A_219 : i32 to vector<16xi32>
          %add3A_221 = arith.addi %mul3A_18, %broadcast_in_dim3A_220 : vector<16xi32>
          %gather3A_222 = tpu.vector_load_idx %arg6[%add3A_221] : memref<2064xf32, #tpu.memory_space<vmem>>[vector<16xi32>], vector<16xf32>,
          %broadcast_in_dim3A_223 = arith.constant 10 : i32
          %broadcast_in_dim3A_224 = vector.broadcast %broadcast_in_dim3A_223 : i32 to vector<16xi32>
          %add3A_225 = arith.addi %mul3A_18, %broadcast_in_dim3A_224 : vector<16xi32>
          %gather3A_226 = tpu.vector_load_idx %arg6[%add3A_225] : memref<2064xf32, #tpu.memory_space<vmem>>[vector<16xi32>], vector<16xf32>,
          %broadcast_in_dim3A_227 = arith.constant 11 : i32
          %broadcast_in_dim3A_228 = vector.broadcast %broadcast_in_dim3A_227 : i32 to vector<16xi32>
          %add3A_229 = arith.addi %mul3A_18, %broadcast_in_dim3A_228 : vector<16xi32>
          %gather3A_230 = tpu.vector_load_idx %arg6[%add3A_229] : memref<2064xf32, #tpu.memory_space<vmem>>[vector<16xi32>], vector<16xf32>,
          %broadcast_in_dim3A_231 = arith.constant 12 : i32
          %broadcast_in_dim3A_232 = vector.broadcast %broadcast_in_dim3A_231 : i32 to vector<16xi32>
          %add3A_233 = arith.addi %mul3A_18, %broadcast_in_dim3A_232 : vector<16xi32>
          %gather3A_234 = tpu.vector_load_idx %arg6[%add3A_233] : memref<2064xf32, #tpu.memory_space<vmem>>[vector<16xi32>], vector<16xf32>,
          %broadcast_in_dim3A_235 = arith.constant 13 : i32
          %broadcast_in_dim3A_236 = vector.broadcast %broadcast_in_dim3A_235 : i32 to vector<16xi32>
          %add3A_237 = arith.addi %mul3A_18, %broadcast_in_dim3A_236 : vector<16xi32>
          %gather3A_238 = tpu.vector_load_idx %arg6[%add3A_237] : memref<2064xf32, #tpu.memory_space<vmem>>[vector<16xi32>], vector<16xf32>,
          %broadcast_in_dim3A_239 = arith.constant 14 : i32
          %broadcast_in_dim3A_240 = vector.broadcast %broadcast_in_dim3A_239 : i32 to vector<16xi32>
          %add3A_241 = arith.addi %mul3A_18, %broadcast_in_dim3A_240 : vector<16xi32>
          %gather3A_242 = tpu.vector_load_idx %arg6[%add3A_241] : memref<2064xf32, #tpu.memory_space<vmem>>[vector<16xi32>], vector<16xf32>,
          %broadcast_in_dim3A_243 = arith.constant 15 : i32
          %broadcast_in_dim3A_244 = vector.broadcast %broadcast_in_dim3A_243 : i32 to vector<16xi32>
          %add3A_245 = arith.addi %mul3A_18, %broadcast_in_dim3A_244 : vector<16xi32>
          %gather3A_246 = tpu.vector_load_idx %arg6[%add3A_245] : memref<2064xf32, #tpu.memory_space<vmem>>[vector<16xi32>], vector<16xf32>,
          %scan3A_247 = arith.constant 0 : i32
          %scan3A_248 = arith.constant 24 : i32
          %scan3A_249 = arith.addi %scan3A_247, %scan3A_248 : i32
          %scan3A_250 = arith.constant 1 : i32
          %scan3A_251:3 = scf.for %scan3A_253 = %scan3A_247 to %scan3A_249 step %scan3A_250 iter_args(%scan3A_254 = %scan3A_94#0, %scan3A_255 = %scan3A_94#1, %scan3A_256 = %scan3A_94#2) -> (vector<16xi32>, vector<16xi32>, vector<16xf32>)  : i32 {
            %lt3A_257 = arith.cmpf olt, %gather3A, %scan3A_256 : vector<16xf32>
            %all_reduce_population_count3A = tpu.all_reduce %lt3A_257 {dim = 0 : i64, kind = #tpu.reduction_kind<sum>} : vector<16xi1> -> vector<16xi32>
            %add3A_258 = arith.addi %broadcast_in_dim3A_5, %all_reduce_population_count3A : vector<16xi32>
            %lt3A_259 = arith.cmpf olt, %gather3A_190, %scan3A_256 : vector<16xf32>
            %all_reduce_population_count3A_260 = tpu.all_reduce %lt3A_259 {dim = 0 : i64, kind = #tpu.reduction_kind<sum>} : vector<16xi1> -> vector<16xi32>
            %add3A_261 = arith.addi %add3A_258, %all_reduce_population_count3A_260 : vector<16xi32>
            %lt3A_262 = arith.cmpf olt, %gather3A_194, %scan3A_256 : vector<16xf32>
            %all_reduce_population_count3A_263 = tpu.all_reduce %lt3A_262 {dim = 0 : i64, kind = #tpu.reduction_kind<sum>} : vector<16xi1> -> vector<16xi32>
            %add3A_264 = arith.addi %add3A_261, %all_reduce_population_count3A_263 : vector<16xi32>
            %lt3A_265 = arith.cmpf olt, %gather3A_198, %scan3A_256 : vector<16xf32>
            %all_reduce_population_count3A_266 = tpu.all_reduce %lt3A_265 {dim = 0 : i64, kind = #tpu.reduction_kind<sum>} : vector<16xi1> -> vector<16xi32>
            %add3A_267 = arith.addi %add3A_264, %all_reduce_population_count3A_266 : vector<16xi32>
            %lt3A_268 = arith.cmpf olt, %gather3A_202, %scan3A_256 : vector<16xf32>
            %all_reduce_population_count3A_269 = tpu.all_reduce %lt3A_268 {dim = 0 : i64, kind = #tpu.reduction_kind<sum>} : vector<16xi1> -> vector<16xi32>
            %add3A_270 = arith.addi %add3A_267, %all_reduce_population_count3A_269 : vector<16xi32>
            %lt3A_271 = arith.cmpf olt, %gather3A_206, %scan3A_256 : vector<16xf32>
            %all_reduce_population_count3A_272 = tpu.all_reduce %lt3A_271 {dim = 0 : i64, kind = #tpu.reduction_kind<sum>} : vector<16xi1> -> vector<16xi32>
            %add3A_273 = arith.addi %add3A_270, %all_reduce_population_count3A_272 : vector<16xi32>
            %lt3A_274 = arith.cmpf olt, %gather3A_210, %scan3A_256 : vector<16xf32>
            %all_reduce_population_count3A_275 = tpu.all_reduce %lt3A_274 {dim = 0 : i64, kind = #tpu.reduction_kind<sum>} : vector<16xi1> -> vector<16xi32>
            %add3A_276 = arith.addi %add3A_273, %all_reduce_population_count3A_275 : vector<16xi32>
            %lt3A_277 = arith.cmpf olt, %gather3A_214, %scan3A_256 : vector<16xf32>
            %all_reduce_population_count3A_278 = tpu.all_reduce %lt3A_277 {dim = 0 : i64, kind = #tpu.reduction_kind<sum>} : vector<16xi1> -> vector<16xi32>
            %add3A_279 = arith.addi %add3A_276, %all_reduce_population_count3A_278 : vector<16xi32>
            %lt3A_280 = arith.cmpf olt, %gather3A_218, %scan3A_256 : vector<16xf32>
            %all_reduce_population_count3A_281 = tpu.all_reduce %lt3A_280 {dim = 0 : i64, kind = #tpu.reduction_kind<sum>} : vector<16xi1> -> vector<16xi32>
            %add3A_282 = arith.addi %add3A_279, %all_reduce_population_count3A_281 : vector<16xi32>
            %lt3A_283 = arith.cmpf olt, %gather3A_222, %scan3A_256 : vector<16xf32>
            %all_reduce_population_count3A_284 = tpu.all_reduce %lt3A_283 {dim = 0 : i64, kind = #tpu.reduction_kind<sum>} : vector<16xi1> -> vector<16xi32>
            %add3A_285 = arith.addi %add3A_282, %all_reduce_population_count3A_284 : vector<16xi32>
            %lt3A_286 = arith.cmpf olt, %gather3A_226, %scan3A_256 : vector<16xf32>
            %all_reduce_population_count3A_287 = tpu.all_reduce %lt3A_286 {dim = 0 : i64, kind = #tpu.reduction_kind<sum>} : vector<16xi1> -> vector<16xi32>
            %add3A_288 = arith.addi %add3A_285, %all_reduce_population_count3A_287 : vector<16xi32>
            %lt3A_289 = arith.cmpf olt, %gather3A_230, %scan3A_256 : vector<16xf32>
            %all_reduce_population_count3A_290 = tpu.all_reduce %lt3A_289 {dim = 0 : i64, kind = #tpu.reduction_kind<sum>} : vector<16xi1> -> vector<16xi32>
            %add3A_291 = arith.addi %add3A_288, %all_reduce_population_count3A_290 : vector<16xi32>
            %lt3A_292 = arith.cmpf olt, %gather3A_234, %scan3A_256 : vector<16xf32>
            %all_reduce_population_count3A_293 = tpu.all_reduce %lt3A_292 {dim = 0 : i64, kind = #tpu.reduction_kind<sum>} : vector<16xi1> -> vector<16xi32>
            %add3A_294 = arith.addi %add3A_291, %all_reduce_population_count3A_293 : vector<16xi32>
            %lt3A_295 = arith.cmpf olt, %gather3A_238, %scan3A_256 : vector<16xf32>
            %all_reduce_population_count3A_296 = tpu.all_reduce %lt3A_295 {dim = 0 : i64, kind = #tpu.reduction_kind<sum>} : vector<16xi1> -> vector<16xi32>
            %add3A_297 = arith.addi %add3A_294, %all_reduce_population_count3A_296 : vector<16xi32>
            %lt3A_298 = arith.cmpf olt, %gather3A_242, %scan3A_256 : vector<16xf32>
            %all_reduce_population_count3A_299 = tpu.all_reduce %lt3A_298 {dim = 0 : i64, kind = #tpu.reduction_kind<sum>} : vector<16xi1> -> vector<16xi32>
            %add3A_300 = arith.addi %add3A_297, %all_reduce_population_count3A_299 : vector<16xi32>
            %lt3A_301 = arith.cmpf olt, %gather3A_246, %scan3A_256 : vector<16xf32>
            %all_reduce_population_count3A_302 = tpu.all_reduce %lt3A_301 {dim = 0 : i64, kind = #tpu.reduction_kind<sum>} : vector<16xi1> -> vector<16xi32>
            %add3A_303 = arith.addi %add3A_300, %all_reduce_population_count3A_302 : vector<16xi32>
            %or3A = arith.ori %scan3A_254, %scan3A_255 : vector<16xi32>
            %shift_right_logical3A = arith.constant 1 : i32
            %shift_right_logical3A_304 = vector.broadcast %shift_right_logical3A : i32 to vector<16xi32>
            %shift_right_logical3A_305 = arith.shrui %scan3A_255, %shift_right_logical3A_304 : vector<16xi32>
            %or3A_306 = arith.ori %or3A, %shift_right_logical3A_305 : vector<16xi32>
            %lt3A_307 = arith.cmpi slt, %or3A_306, %broadcast_in_dim3A_5 : vector<16xi32>
            %and3A_308 = arith.andi %or3A_306, %broadcast_in_dim3A_11 : vector<16xi32>
            %not3A_309 = arith.constant dense<-1> : vector<16xi32>
            %not3A_310 = arith.xori %or3A_306, %not3A_309 : vector<16xi32>
            %select_n3A_311 = arith.select %lt3A_307, %and3A_308, %not3A_310 : vector<16xi1>, vector<16xi32>
            %bitcast_convert_type3A_312 = tpu.bitcast %select_n3A_311 : vector<16xi32> -> vector<16xf32>
            %or3A_313 = arith.ori %scan3A_254, %shift_right_logical3A_305 : vector<16xi32>
            %lt3A_314 = arith.cmpi slt, %or3A_313, %broadcast_in_dim3A_5 : vector<16xi32>
            %and3A_315 = arith.andi %or3A_313, %broadcast_in_dim3A_11 : vector<16xi32>
            %not3A_316 = arith.constant dense<-1> : vector<16xi32>
            %not3A_317 = arith.xori %or3A_313, %not3A_316 : vector<16xi32>
            %select_n3A_318 = arith.select %lt3A_314, %and3A_315, %not3A_317 : vector<16xi1>, vector<16xi32>
            %bitcast_convert_type3A_319 = tpu.bitcast %select_n3A_318 : vector<16xi32> -> vector<16xf32>
            %le3A_320 = arith.cmpi sle, %add3A_303, %sub3A : vector<16xi32>
            %select_n3A_321 = arith.select %le3A_320, %or3A, %scan3A_254 : vector<16xi1>, vector<16xi32>
            %select_n3A_322 = arith.select %le3A_320, %bitcast_convert_type3A_312, %bitcast_convert_type3A_319 : vector<16xi1>, vector<16xf32>
            scf.yield %select_n3A_321, %shift_right_logical3A_305, %select_n3A_322 : vector<16xi32>, vector<16xi32>, vector<16xf32>
          }
          %scan3A_252 = arith.constant 24 : i32
          scf.yield %scan3A_251#0 : vector<16xi32>
        } else {
          %scan3A_184 = arith.constant 0 : i32
          %scan3A_185 = arith.constant 24 : i32
          %scan3A_186 = arith.addi %scan3A_184, %scan3A_185 : i32
          %scan3A_187 = arith.constant 1 : i32
          %scan3A_188:3 = scf.for %scan3A_190 = %scan3A_184 to %scan3A_186 step %scan3A_187 iter_args(%scan3A_191 = %scan3A_94#0, %scan3A_192 = %scan3A_94#1, %scan3A_193 = %scan3A_94#2) -> (vector<16xi32>, vector<16xi32>, vector<16xf32>)  : i32 {
            %while3A = arith.constant 0 : i32
            %while3A_194 = arith.subi %reduce_max3A_172, %while3A : i32
            %while3A_195 = arith.addi %while3A, %while3A_194 : i32
            %while3A_196 = arith.constant 1 : i32
            %while3A_197 = arith.divsi %while3A_194, %while3A_196 : i32
            %while3A_198 = arith.muli %while3A_197, %while3A_196 : i32
            %while3A_199 = arith.addi %while3A, %while3A_198 : i32
            %while3A_200 = arith.constant 1 : i32
            %while3A_201 = scf.for %while3A_223 = %while3A to %while3A_199 step %while3A_200 iter_args(%while3A_224 = %broadcast_in_dim3A_5) -> (vector<16xi32>)  : i32 {
              %broadcast_in_dim3A_225 = vector.broadcast %while3A_223 : i32 to vector<16xi32>
              %add3A_226 = arith.addi %mul3A_18, %broadcast_in_dim3A_225 : vector<16xi32>
              %gather3A = tpu.vector_load_idx %arg6[%add3A_226] : memref<2064xf32, #tpu.memory_space<vmem>>[vector<16xi32>], vector<16xf32>,
              %lt3A_227 = arith.cmpf olt, %gather3A, %scan3A_193 : vector<16xf32>
              %gt3A = arith.cmpi sgt, %scan3A_164, %broadcast_in_dim3A_225 : vector<16xi32>
              %and3A_228 = arith.andi %lt3A_227, %gt3A : vector<16xi1>
              %all_reduce_population_count3A = tpu.all_reduce %and3A_228 {dim = 0 : i64, kind = #tpu.reduction_kind<sum>} : vector<16xi1> -> vector<16xi32>
              %add3A_229 = arith.addi %while3A_224, %all_reduce_population_count3A : vector<16xi32>
              scf.yield %add3A_229 : vector<16xi32>
            }
            %while3A_202 = arith.constant 1 : i32
            %while3A_203 = scf.for %while3A_223 = %while3A_199 to %while3A_195 step %while3A_202 iter_args(%while3A_224 = %while3A_201) -> (vector<16xi32>)  : i32 {
              %broadcast_in_dim3A_225 = vector.broadcast %while3A_223 : i32 to vector<16xi32>
              %add3A_226 = arith.addi %mul3A_18, %broadcast_in_dim3A_225 : vector<16xi32>
              %gather3A = tpu.vector_load_idx %arg6[%add3A_226] : memref<2064xf32, #tpu.memory_space<vmem>>[vector<16xi32>], vector<16xf32>,
              %lt3A_227 = arith.cmpf olt, %gather3A, %scan3A_193 : vector<16xf32>
              %gt3A = arith.cmpi sgt, %scan3A_164, %broadcast_in_dim3A_225 : vector<16xi32>
              %and3A_228 = arith.andi %lt3A_227, %gt3A : vector<16xi1>
              %all_reduce_population_count3A = tpu.all_reduce %and3A_228 {dim = 0 : i64, kind = #tpu.reduction_kind<sum>} : vector<16xi1> -> vector<16xi32>
              %add3A_229 = arith.addi %while3A_224, %all_reduce_population_count3A : vector<16xi32>
              scf.yield %add3A_229 : vector<16xi32>
            }
            %or3A = arith.ori %scan3A_191, %scan3A_192 : vector<16xi32>
            %shift_right_logical3A = arith.constant 1 : i32
            %shift_right_logical3A_204 = vector.broadcast %shift_right_logical3A : i32 to vector<16xi32>
            %shift_right_logical3A_205 = arith.shrui %scan3A_192, %shift_right_logical3A_204 : vector<16xi32>
            %or3A_206 = arith.ori %or3A, %shift_right_logical3A_205 : vector<16xi32>
            %lt3A_207 = arith.cmpi slt, %or3A_206, %broadcast_in_dim3A_5 : vector<16xi32>
            %and3A_208 = arith.andi %or3A_206, %broadcast_in_dim3A_11 : vector<16xi32>
            %not3A_209 = arith.constant dense<-1> : vector<16xi32>
            %not3A_210 = arith.xori %or3A_206, %not3A_209 : vector<16xi32>
            %select_n3A_211 = arith.select %lt3A_207, %and3A_208, %not3A_210 : vector<16xi1>, vector<16xi32>
            %bitcast_convert_type3A_212 = tpu.bitcast %select_n3A_211 : vector<16xi32> -> vector<16xf32>
            %or3A_213 = arith.ori %scan3A_191, %shift_right_logical3A_205 : vector<16xi32>
            %lt3A_214 = arith.cmpi slt, %or3A_213, %broadcast_in_dim3A_5 : vector<16xi32>
            %and3A_215 = arith.andi %or3A_213, %broadcast_in_dim3A_11 : vector<16xi32>
            %not3A_216 = arith.constant dense<-1> : vector<16xi32>
            %not3A_217 = arith.xori %or3A_213, %not3A_216 : vector<16xi32>
            %select_n3A_218 = arith.select %lt3A_214, %and3A_215, %not3A_217 : vector<16xi1>, vector<16xi32>
            %bitcast_convert_type3A_219 = tpu.bitcast %select_n3A_218 : vector<16xi32> -> vector<16xf32>
            %le3A_220 = arith.cmpi sle, %while3A_203, %sub3A : vector<16xi32>
            %select_n3A_221 = arith.select %le3A_220, %or3A, %scan3A_191 : vector<16xi1>, vector<16xi32>
            %select_n3A_222 = arith.select %le3A_220, %bitcast_convert_type3A_212, %bitcast_convert_type3A_219 : vector<16xi1>, vector<16xf32>
            scf.yield %select_n3A_221, %shift_right_logical3A_205, %select_n3A_222 : vector<16xi32>, vector<16xi32>, vector<16xf32>
          }
          %scan3A_189 = arith.constant 24 : i32
          scf.yield %scan3A_188#0 : vector<16xi32>
        }
        %lt3A_176 = arith.cmpi slt, %cond3A_175, %broadcast_in_dim3A_5 : vector<16xi32>
        %and3A_177 = arith.andi %cond3A_175, %broadcast_in_dim3A_11 : vector<16xi32>
        %not3A_178 = arith.constant dense<-1> : vector<16xi32>
        %not3A_179 = arith.xori %cond3A_175, %not3A_178 : vector<16xi32>
        %select_n3A_180 = arith.select %lt3A_176, %and3A_177, %not3A_179 : vector<16xi1>, vector<16xi32>
        %bitcast_convert_type3A_181 = tpu.bitcast %select_n3A_180 : vector<16xi32> -> vector<16xf32>
        %add3A_182 = arith.addi %mul3A_79, %scan3A_86 : i32
        %broadcast_in_dim3A_183 = vector.broadcast %add3A_182 : i32 to vector<16xi32>
        tpu.vector_store_idx %arg7[%broadcast_in_dim3A_183], %bitcast_convert_type3A_181 masked %eq3A : memref<512xf32, #tpu.memory_space<vmem>>[vector<16xi32>], vector<16xf32>, vector<16xi1>
      }
      %scan3A_85 = arith.constant 16 : i32
    }
    %scan3A_28 = arith.constant 16 : i32
    %add3A_29 = arith.constant 0 : i32
    %add3A_30 = arith.addi %mul3A_2, %add3A_29 : i32
    %mul3A_31 = arith.constant 2048 : i32
    %mul3A_32 = arith.muli %add3A_30, %mul3A_31 : i32
    %dma_wait3A = tpu.memref_slice %arg2[%mul3A_32] : memref<33554432xf32, #tpu.memory_space<hbm>> -> memref<32768xf32, #tpu.memory_space<hbm>>
    %dma_wait3A_33 = tpu.memref_slice %arg2[%mul3A_32] : memref<33554432xf32, #tpu.memory_space<hbm>> -> memref<32768xf32, #tpu.memory_space<hbm>>
    tpu.wait_dma2 semaphore(%arg8 : memref<!tpu.dma_semaphore, #tpu.memory_space<semaphore_mem>>) src(%dma_wait3A_33 : memref<32768xf32, #tpu.memory_space<hbm>>) dst(%arg4 : memref<32768xf32, #tpu.memory_space<vmem>>)
    "tpu.region"() ({
      %run_scoped3A = tpu.sem_alloc : memref<!tpu.dma_semaphore, #tpu.memory_space<semaphore_mem>>
      %dma_start3A_34 = tpu.memref_slice %arg3[%mul3A_2] : memref<16384xf32, #tpu.memory_space<hbm>> -> memref<512xf32, #tpu.memory_space<hbm>>
      %dma_start3A_35 = tpu.memref_slice %arg3[%mul3A_2] : memref<16384xf32, #tpu.memory_space<hbm>> -> memref<512xf32, #tpu.memory_space<hbm>>
      tpu.enqueue_dma source(%arg7 : memref<512xf32, #tpu.memory_space<vmem>>) target(%dma_start3A_35 : memref<512xf32, #tpu.memory_space<hbm>>) target_semaphore(%run_scoped3A : memref<!tpu.dma_semaphore, #tpu.memory_space<semaphore_mem>>)
      %dma_wait3A_36 = tpu.memref_slice %arg3[%mul3A_2] : memref<16384xf32, #tpu.memory_space<hbm>> -> memref<512xf32, #tpu.memory_space<hbm>>
      %dma_wait3A_37 = tpu.memref_slice %arg3[%mul3A_2] : memref<16384xf32, #tpu.memory_space<hbm>> -> memref<512xf32, #tpu.memory_space<hbm>>
      tpu.wait_dma2 semaphore(%run_scoped3A : memref<!tpu.dma_semaphore, #tpu.memory_space<semaphore_mem>>) src(%arg7 : memref<512xf32, #tpu.memory_space<vmem>>) dst(%dma_wait3A_37 : memref<512xf32, #tpu.memory_space<hbm>>)
      tpu.yield
    }) : () -> ()
    return
  }
}

</mosaic_0001>

<sc_bundles>
// kernel: kernel.3.cloned.1.call-start
scs
__scs_entry_jumppad:
0x0: {  	(pc) =	sbr.rel $0x88, $3  }
0x1: {  	(tag) =	ssettag $0x0;
	lr =	simm.s32 $0x1  }
0x2: {  	[smem:$0x3FA0] =	sst lr;
	_ =	strace $0xD0000000  }
0x3: {  	_ = 	snop  }
0x4: {  	_ = 	snop  }
0x5: {  	_ = 	snop  }
0x6: {  	_ = 	snop  }
0x7: {  	_ = 	snop  }
__scs_overlays_trampoline_lowered:
0x8: {  	[smem:$0x3FAF] =	sst s0  }
0x9: {  	[smem:$0x3FB0] =	sst s1  }
0xa: {  	[smem:$0x3FB1] =	sst s2  }
0xb: {  	[smem:$0x3FB2] =	sst s3  }
0xc: {  	[smem:$0x3FB3] =	sst s4  }
0xd: {  	[smem:$0x3FB4] =	sst s5  }
0xe: {  	[smem:$0x3FB5] =	sst s6  }
0xf: {  	[smem:$0x3FB6] =	sst s7  }
0x10: {  	[smem:$0x3FB7] =	sst s8  }
0x11: {  	[smem:$0x3FB8] =	sst s9;
	s0 =	simm.s32 @!p0 $0x0  }
0x12: {  	s1 =	sld [smem:$0x3F9E];
	s0 =	simm.s32 @p0 $0x1  }
0x13: {  	[smem:$0x3FB9] =	sst s0;
	s0 =	simm.s32 @!p1 $0x0  }
0x14: {  	s2 =	sld [smem:$0x3F9D];
	s0 =	simm.s32 @p1 $0x1  }
0x15: {  	[smem:$0x3FBA] =	sst s0;
	s0 =	simm.s32 @!p2 $0x0  }
0x16: {  	s3 =	sld [smem:$0x3FDB];
	s0 =	simm.s32 @p2 $0x1  }
0x17: {  	s4 =	simm.s32 $0x1BF5;
	[smem:$0x3FBC] =	sst s0  }
0x18: {  	s0 =	sld [smem:$0x3F9F];
	_ =	swait.ge [sflag:s4], $0x0  }
0x19: {  	s7 =	sld [smem:$0x3FA0]  }
0x1a: {  	s8 =	sadd.s32 $0xFFFFE003, lr  }
0x1b: {  	s9 =	sadd.s32 $0xFFFFFEF7, lr;
	s5 =	simm.s32 $0xFFFFFFFF;
	p2 =	slt.u32 s8, $0xFFFFF086  }
0x1c: {  	p1 =	slt.u32 s9, $0xF7A;
	s5 =	simm.s32 @!p2 $0x0  }
0x1d: {  	s5 =	simm.s32 @p1 $0x1;
	p0 =	seq.s32 s7, s2  }
0x1e: {  	s7 =	smul.u32 @!p0 $0xF7A, s2;
	p2 =	seq.s32 @!p0 s5, $0x0  }
0x1f: {  	s9 =	smul.u32 $0xF7A, s1;
	s8 =	simm.s32 @!p0 $0x1BF5;
	p2 =	por !p2, p0  }
0x20: {  	[sflag:s8] =	ssyncset.s32 @!p0 $0xFFFFF086;
	s6 =	sadd.s32 @!p0 s3, s7;
	s7 =	simm.s32 @!p0 $0x108  }
0x21: {  	s3 =	sadd.s32 s3, s9;
	s6 =	sadd.s32 @!p0 $0x88, s6;
	s7 =	simm.s32 @p2 $0x1082  }
0x22: {  	[simem:s7], [sflag:s8] =	dma.local @!p0 [hbm:s6], $0xF7A  }
0x23: {  	s9 =	sor.u32 $0xD0000000, s2;
	s6 =	simm.s32 $0x108;
	_ =	swait.ge @!p0 [sflag:s8], $0x0  }
0x24: {  	s3 =	sadd.s32 $0x88, s3;
	s6 =	simm.s32 @!p1 $0x1082;
	[sflag:s4] =	ssyncset.s32 $0xFFFFF086  }
0x25: {  	[simem:s6], [sflag:s4] =	dma.local [hbm:s3], $0xF7A  }
0x26: {  	[smem:$0x3FA0] =	sst s1;
	(tag) =	ssettag s2;
	_ =	strace s9  }
0x27: {  	s1 =	sld [smem:$0x3FB0]  }
0x28: {  	s2 =	sld [smem:$0x3FB1]  }
0x29: {  	s4 =	sld [smem:$0x3FB3]  }
0x2a: {  	p0 =	seq.s32 s5, $0x0;
	s5 =	sld [smem:$0x3FB4]  }
0x2b: {  	s6 =	sld [smem:$0x3FB5]  }
0x2c: {  	s7 =	sld [smem:$0x3FB6]  }
0x2d: {  	s3 =	simm.s32 $0x108;
	s8 =	sld [smem:$0x3FB7]  }
0x2e: {  	s3 =	simm.s32 @!p0 $0x1082;
	s9 =	sld [smem:$0x3FB8]  }
0x2f: {  	lr =	sadd.s32 s0, s3;
	s0 =	sld [smem:$0x3FAF]  }
0x30: {  	s3 =	sld [smem:$0x3FB2]  }
0x31: {  	[smem:$0x3FBB] =	sst s10  }
0x32: {  	s10 =	sld [smem:$0x3FB9];
	_ =	sdelay $0x3  }
0x33: {  	p0 =	seq.s32 s10, $0x1;
	s10 =	sld [smem:$0x3FBB];
	_ =	sdelay $0x3  }
0x34: {  	[smem:$0x3FBB] =	sst s10  }
0x35: {  	s10 =	sld [smem:$0x3FBA];
	_ =	sdelay $0x3  }
0x36: {  	p1 =	seq.s32 s10, $0x1;
	s10 =	sld [smem:$0x3FBB];
	_ =	sdelay $0x3  }
0x37: {  	[smem:$0x3FBB] =	sst s10  }
0x38: {  	s10 =	sld [smem:$0x3FBC]  }
0x39: {  	_ = 	snop;
	(pc) =	sbr.ind lr, $3  }
0x3a: {  	_ = 	snop  }
0x3b: {  	_ = 	snop  }
0x3c: {  	p2 =	seq.s32 s10, $0x1;
	s10 =	sld [smem:$0x3FBB]  }
0x3d: {  	_ =	shalt  }
0x3e: {  	_ =	shalt  }
0x3f: {  	_ =	shalt  }
0x40: {  	_ =	shalt  }
0x41: {  	_ =	shalt  }
0x42: {  	_ =	shalt  }
0x43: {  	_ =	shalt  }
0x44: {  	_ =	shalt  }
0x45: {  	_ =	shalt  }
0x46: {  	_ =	shalt  }
0x47: {  	_ =	shalt  }
0x48: {  	_ =	shalt  }
0x49: {  	_ =	shalt  }
0x4a: {  	_ =	shalt  }
0x4b: {  	_ =	shalt  }
0x4c: {  	_ =	shalt  }
0x4d: {  	_ =	shalt  }
0x4e: {  	_ =	shalt  }
0x4f: {  	_ =	shalt  }
0x50: {  	_ =	shalt  }
0x51: {  	_ =	shalt  }
0x52: {  	_ =	shalt  }
0x53: {  	_ =	shalt  }
0x54: {  	_ =	shalt  }
0x55: {  	_ =	shalt  }
0x56: {  	_ =	shalt  }
0x57: {  	_ =	shalt  }
0x58: {  	_ =	shalt  }
0x59: {  	_ =	shalt  }
0x5a: {  	_ =	shalt  }
0x5b: {  	_ =	shalt  }
0x5c: {  	_ =	shalt  }
0x5d: {  	_ =	shalt  }
0x5e: {  	_ =	shalt  }
0x5f: {  	_ =	shalt  }
0x60: {  	_ =	shalt  }
0x61: {  	_ =	shalt  }
0x62: {  	_ =	shalt  }
0x63: {  	_ =	shalt  }
0x64: {  	_ =	shalt  }
0x65: {  	_ =	shalt  }
0x66: {  	_ =	shalt  }
0x67: {  	_ =	shalt  }
0x68: {  	_ =	shalt  }
0x69: {  	_ =	shalt  }
0x6a: {  	_ =	shalt  }
0x6b: {  	_ =	shalt  }
0x6c: {  	_ =	shalt  }
0x6d: {  	_ =	shalt  }
0x6e: {  	_ =	shalt  }
0x6f: {  	_ =	shalt  }
0x70: {  	_ =	shalt  }
0x71: {  	_ =	shalt  }
0x72: {  	_ =	shalt  }
0x73: {  	_ =	shalt  }
0x74: {  	_ =	shalt  }
0x75: {  	_ =	shalt  }
0x76: {  	_ =	shalt  }
0x77: {  	_ =	shalt  }
0x78: {  	_ =	shalt  }
0x79: {  	_ =	shalt  }
0x7a: {  	_ =	shalt  }
0x7b: {  	_ =	shalt  }
0x7c: {  	_ =	shalt  }
0x7d: {  	_ =	shalt  }
0x7e: {  	_ =	shalt  }
0x7f: {  	_ =	shalt  }
0x80: {  	_ =	shalt  }
0x81: {  	_ =	shalt  }
0x82: {  	_ =	shalt  }
0x83: {  	_ =	shalt  }
0x84: {  	_ =	shalt  }
0x85: {  	_ =	shalt  }
0x86: {  	_ =	shalt  }
0x87: {  	_ =	shalt  }
.Lfunc_end0:
.L_simem_size_0:
called_computation.1_lowered:
.L_overlay_start_0:
0x88: {  	s2 =	sld [smem:$0x3FD9]  }
0x89: {  	s3 =	sld [smem:$0x3FFE];
	_ =	sdelay $0x1  }
0x8a: {  	s1 =	srdreg.scid  }
0x8b: {  	s0 =	sand.u32 $0x1, s1  }
0x8c: {  	s16 =	sshll.u32 s0, $0xA;
	s2 =	sadd.s32 s3, s2  }
0x8d: {  	s2 =	sadd.s32 s2, s16  }
0x8e: {  	[smem:$0x3FC7] =	sst s2  }
0x8f: {  	_ = 	snop  }
0x90: {  	(tm) =	ssettm $0x1  }
0x91: {  	s17 =	sld [smem:$0x3FFB];
	_ =	sdelay $0x3  }
0x92: {  	_ =	strace s17  }
0x93: {  	s2 =	sld [smem:$0x3FFC];
	_ =	sdelay $0x3  }
0x94: {  	_ =	strace s2  }
0x95: {  	s2 =	sld [smem:$0x3FFD];
	_ =	sdelay $0x3  }
0x96: {  	_ =	strace s2  }
0x97: {  	_ =	strace $0x8FFFFFFF  }
0x98: {  	s18 =	sld [smem:$0x3FDB];
	_ =	sdelay $0x1  }
0x99: {  	s19 =	simm.s32 $_scs_section_size  }
0x9a: {  	s4 =	simm.s32 $_size__tile_overlayer_lowered;
	s5 =	simm.s32 $_tile_overlayer_lowered  }
0x9b: {  	s22 =	simm.s32 $0x1BFF;
	s21 =	sshll.u32 s5, $0x1;
	s2 =	sadd.s32 s19, s18  }
0x9c: {  	s6 =	simm.s32 $0x0;
	s20 =	sshll.u32 s4, $0x1;
	s4 =	sadd.s32 s21, s2  }
0x9d: {  	[timem:s6], [sflag:s22] =	dma.local [hbm:s4], s20  }
0x9e: {  	_ =	swait.ge [sflag:s22], s20  }
0x9f: {  	s3 =	ssub.s32 $0x0, s20;
	[sflag:s22] =	ssyncset.done $0x0  }
0xa0: {  	[sflag:s22] =	ssyncadd.s32 s3;
	_ =	sdelay $0x1  }
0xa1: {  	s23 =	simm.s32 $0x1B8B  }
0xa2: {  	_ =	swait.ge [sflag:s23], $0x1  }
0xa3: {  	[sflag:s23] =	ssyncset.done $0x0  }
0xa4: {  	s25 =	simm.s32 $0x1B8E;
	s24 =	sld [smem:$0x3FFE];
	[sflag:s23] =	ssyncadd.s32 $0xFFFFFFFF  }
0xa5: {  	s26 =	simm.s32 $execute0_lowered;
	[smem:$0x3FD2] =	sst s25  }
0xa6: {  	s4 =	sshll.u32 s26, $0x1;
	_ =	strace $0x80000049;
	[dreg:$0x1] =	wrdreg $0xFFFFFFFF  }
0xa7: {  	s28 =	simm.s32 $_size_execute0_lowered;
	s2 =	sadd.s32 s2, s4;
	[dreg:$0x0] =	wrdreg $0x0  }
0xa8: {  	s4 =	sshll.u32 s28, $0x1;
	[dreg:$0x2] =	wrdreg s2  }
0xa9: {  	[dreg:$0x3] =	wrdreg s4  }
0xaa: {  	[dreg:$0x4] =	wrdreg $0xC0  }
0xab: {  	_ =	task [dreg:s6], $0x5FFFF  }
0xac: {  	[dreg:$0x1] =	wrdreg $0xFFFFFFFF  }
0xad: {  	[dreg:$0x0] =	wrdreg $0x60  }
0xae: {  	[dreg:$0x2] =	wrdreg s24  }
0xaf: {  	[dreg:$0x3] =	wrdreg $0x9  }
0xb0: {  	_ =	task.clear_ibuf [dreg:s6], $0x4FFFF;
	_ =	strace $0x90000049  }
0xb1: {  	s29 =	simm.s32 $0x9;
	_ =	strace $0x8000004B  }
0xb2: {  	_ =	swait.ge [sflag:s29], $0x1  }
0xb3: {  	[sflag:s29] =	ssyncadd.s32 $0xFFFFFFFF  }
0xb4: {  	_ =	strace $0x9000004B  }
0xb5: {  	_ =	sfence  }
0xb6: {  	s30 =	sld [smem:$0x0];
	_ =	sdelay $0x2  }
0xb7: {  	s31 =	sshll.u32 s1, $0xD;
	s1 =	sshrl.u32 s1, $0x2  }
0xb8: {  	s3 =	sand.u32 $0x4000, s31;
	s1 =	sadd.s32 s1, s30  }
0xb9: {  	s0 =	sor.u32 s3, s0;
	s1 =	sshll.u32 s1, $0x11  }
0xba: {  	s0 =	sor.u32 s1, s0  }
0xbb: {  	s0 =	sadd.s32 $0x8F2B, s0  }
0xbc: {  	[sflag:s0] =	ssyncadd.remote.s32 $0x1  }
0xbd: {  	_ =	sfence.sel $0xFFFF  }
0xbe: {  	[dreg:$0x0] =	wrdreg $0xFFFFFFFF;
	(pc) =	sbr.abs _section_cstart, $3  }
0xbf: {  	[dreg:$0x1] =	wrdreg $0xFFFFFFFF  }
0xc0: {  	_ =	task.clear_ibuf [dreg:s6], $0x2FFFF;
	_ =	strace $0x9FFFFFFF  }
0xc1: {  	(tm) =	ssettm $0x7FFFFFFF  }
tec
execute0_lowered:
.L_overlay_start_1:
0x0: {  	(tag) =	ssettag $0x1  }
0x1: {  	s3 =	rddreg [dreg:$0x0]  }
0x2: {  	s0 =	rddreg [dreg:$0x1]  }
0x3: {  	s2 =	simm.s32 $0x0;
	s4 =	srdreg.scid;
	s1 =	stileid.u32  }
0x4: {  	v0 =	vlaneseq.u32;
	s8 =	simm.s32 $0x8000;
	s9 =	simm.s32 $0x10000;
	s10 =	simm.s32 $0x10880  }
0x5: {  	s11 =	simm.s32 $0x2;
	s12 =	simm.s32 $0x3;
	s13 =	simm.s32 $0x0;
	v0 =	vmul.u32 $0x81, v0  }
0x6: {  	v1 =	vimm.f32 $NaN;
	v17 =	vimm.s32 $0x0;
	[smem:$0x7FF] =	sst s2;
	s4 =	sand.u32 $0x1, s4;
	s5 =	sshll.u32 s1, $0x1  }
.Ltmp0:
0x7: {  	_ =	strace $0x8000004A;
	s5 =	sor.u32 s4, s5;
	v2 =	vadd.s32 $0x1, v0;
	v3 =	vadd.s32 $0x2, v0;
	v4 =	vadd.s32 $0x3, v0;
	(pc) =	sbr.rel .LBB2_1-.Ltmp0, $4  }
0x8: {  	s4 =	ssub.s32 $0x2, s4;
	s6 =	sshll.u32 s5, $0x11;
	s5 =	sshll.u32 s5, $0x6;
	v5 =	vadd.s32 $0x4, v0;
	v6 =	vadd.s32 $0x5, v0;
	v7 =	vadd.s32 $0x6, v0  }
0x9: {  	s31 =	sshrl.u32 s4, $0x1;
	v8 =	vadd.s32 $0x7, v0;
	v9 =	vadd.s32 $0x8, v0;
	v10 =	vadd.s32 $0x9, v0;
	s6 =	sadd.s32 s6, s3;
	s5 =	sadd.s32 s5, s3  }
0xa: {  	v11 =	vadd.s32 $0xA, v0;
	v12 =	vadd.s32 $0xB, v0;
	v13 =	vadd.s32 $0xC, v0;
	s7 =	ssub.s32 s4, s31;
	s3 =	sadd.s32 $0x800, s6;
	s4 =	sadd.s32 $0x2800, s6  }
0xb: {  	v14 =	vadd.s32 $0xD, v0;
	v15 =	vadd.s32 $0xE, v0;
	v16 =	vadd.s32 $0xF, v0;
	s5 =	sadd.s32 $0x400800, s5;
	s6 =	smax.u32 s7, $0x1;
	s7 =	simm.s32 $0x1  }
.LBB2_47:
0xc: {  	_ =	swait.ge [sflag:s7], $0x8000;
	s13 =	sadd.s32 $0x1, s13  }
0xd: {  	[sflag:s7] =	ssyncset.done $0x0;
	p0 =	sne.s32 s13, s6  }
.Ltmp1:
0xe: {  	[sflag:s7] =	ssyncadd.s32 $0xFFFF8000;
	(pc) =	sbr.rel @!p0 .LBB2_48-.Ltmp1, $4  }
0xf: {  	[hbm4b:s5+s2] =	stream.linear.scatter [tilespmem:s10], [sflag:$0x3], $0x200, $0x38;
	[tilespmem:$0x10A80] =	vst v63  }
0x10: {  	_ =	swait.ge [sflag:s12], $0x200  }
0x11: {  	[sflag:s12] =	ssyncset.done $0x0  }
0x12: {  	[sflag:s12] =	ssyncadd.s32 $0xFFFFFE00  }
.LBB2_1:
.Ltmp2:
0x13: {  	(pc) =	sbr.rel .LBB2_2-.Ltmp2, $3  }
0x14: {  	_ =	sdelay $0x1  }
0x15: {  	[tilespmem:s2], [sflag:$0x1] =	stream.linear.gather [hbm4b:s3+s2], $0x8000, $0x38;
	[tilespmem:$0x10A80] =	vst v63  }
0x16: {  	s14 =	simm.s32 $0x0  }
.LBB2_46:
0x17: {  	s14 =	sadd.s32 $0x1, s14  }
0x18: {  	p0 =	sne.s32 s14, $0x10  }
.Ltmp3:
0x19: {  	_ = 	snop;
	(pc) =	sbr.rel @!p0 .LBB2_47-.Ltmp3, $1  }
0x1a: {  	_ =	sdelay $0x3  }
.LBB2_2:
0x1b: {  	s16 =	sshll.u32 s14, $0x5  }
.Ltmp4:
0x1c: {  	_ =	swait.ge [sflag:s7], $0x8000;
	s15 =	sor.u32 $0x10, s16;
	(pc) =	sbr.rel .LBB2_3-.Ltmp4, $4  }
0x1d: {  	[sflag:s7] =	ssyncset.done $0x0;
	s17 =	sshll.u32 s15, $0x8  }
0x1e: {  	[sflag:s7] =	ssyncadd.s32 $0xFFFF8000;
	s18 =	sadd.s32 s17, s3;
	s17 =	simm.s32 $0x0  }
0x1f: {  	[tilespmem:s8], [sflag:$0x2] =	stream.linear.gather [hbm4b:s18+s17], $0x8000, $0x38;
	[tilespmem:$0x10A80] =	vst v63  }
0x20: {  	s18 =	simm.s32 $0x40  }
.LBB2_23:
0x21: {  	s19 =	sor.u32 s16, s17;
	s17 =	sadd.s32 $0x1, s17  }
0x22: {  	v19 =	vmov s19;
	p0 =	sne.s32 s17, $0x10  }
.Ltmp5:
0x23: {  	_ = 	snop;
	(pc) =	sbr.rel @!p0 .LBB2_24-.Ltmp5, $4  }
0x24: {  	_ = 	snop  }
0x25: {  	vm0 =	vlt.s32 v18, $0x0;
	v20 =	vand.u32 $0x7FFFFFFF, v18;
	v18 =	vxor.u32 $0xFFFFFFFF, v18  }
0x26: {  	v18 =	vsel vm0, v20, v18  }
0x27: {  	s18 =	sadd.s32 $0x800, s18;
	[tilespmem:v19+s10+$0x0] =	vst.idx.msk $0x1, v18  }
.LBB2_3:
0x28: {  	v22 =	vmov s18;
	_ =	sdelay $0x2  }
0x29: {  	v19 =	vimm.s32 $0x80000000;
	v20 =	vimm.f32 $0.0e+00  }
0x2a: {  	v23 =	vimm.s32 $0x0;
	v21 =	vimm.s32 $0x0;
	v18 =	vimm.s32 $0x0;
	s19 =	simm.s32 $0x0  }
.LBB2_4:
0x2b: {  	_ =	sdelay $0x2  }
0x2c: {  	s20 =	simm.s32 $0x0  }
0x2d: {  	v24 =	vld.idx.msk [tilespmem:v22+s20+$0xFFFFFFC0 ss:$0x1], $0xffff  }
0x2e: {  	v25 =	vld.idx.msk [tilespmem:v22+s20+$0xFFFFFFD0 ss:$0x1], $0xffff  }
0x2f: {  	v26 =	vld.idx.msk [tilespmem:v22+s20+$0xFFFFFFE0 ss:$0x1], $0xffff  }
0x30: {  	v27 =	vld.idx.msk [tilespmem:v22+s20+$0xFFFFFFF0 ss:$0x1], $0xffff  }
0x31: {  	v28 =	vld.idx.msk [tilespmem:v22+s20+$0x0 ss:$0x1], $0xffff  }
0x32: {  	v29 =	vld.idx.msk [tilespmem:v22+s20+$0x10 ss:$0x1], $0xffff  }
0x33: {  	v30 =	vld.idx.msk [tilespmem:v22+s20+$0x20 ss:$0x1], $0xffff;
	vm0 =	vlt.f32 v24, v20  }
0x34: {  	s22 =	simm.s32 $0x80;
	v31 =	vld.idx.msk [tilespmem:v22+s20+$0x30 ss:$0x1], $0xffff;
	v24 =	vmpcnt.ones.xlane vm0;
	vm0 =	vlt.f32 v25, v20  }
0x35: {  	v32 =	vld.idx.msk [tilespmem:v22+s22+$0xFFFFFFC0 ss:$0x1], $0xffff;
	v25 =	vmpcnt.ones.xlane vm0;
	vm0 =	vlt.f32 v26, v20  }
0x36: {  	v33 =	vld.idx.msk [tilespmem:v22+s22+$0xFFFFFFD0 ss:$0x1], $0xffff;
	v24 =	vadd.s32 v23, v24;
	v26 =	vmpcnt.ones.xlane vm0;
	vm0 =	vlt.f32 v27, v20  }
0x37: {  	v27 =	vld.idx.msk [tilespmem:v22+s22+$0xFFFFFFE0 ss:$0x1], $0xffff;
	v25 =	vadd.s32 v25, v24;
	v34 =	vmpcnt.ones.xlane vm0;
	vm0 =	vlt.f32 v28, v20  }
0x38: {  	v24 =	vld.idx.msk [tilespmem:v22+s22+$0xFFFFFFF0 ss:$0x1], $0xffff;
	v26 =	vadd.s32 v26, v25;
	v28 =	vmpcnt.ones.xlane vm0;
	vm0 =	vlt.f32 v29, v20  }
0x39: {  	v25 =	vld.idx.msk [tilespmem:v22+s22+$0x0 ss:$0x1], $0xffff;
	v29 =	vadd.s32 v34, v26;
	v62 =	vmpcnt.ones.xlane vm0;
	vm0 =	vlt.f32 v30, v20  }
0x3a: {  	v26 =	vld.idx.msk [tilespmem:v22+s22+$0x10 ss:$0x1], $0xffff;
	v29 =	vadd.s32 v28, v29;
	v35 =	vmpcnt.ones.xlane vm0;
	vm0 =	vlt.f32 v31, v20  }
0x3b: {  	vm1 =	vlt.f32 v32, v20;
	v28 =	vld.idx.msk [tilespmem:v22+s22+$0x20 ss:$0x1], $0xffff;
	v63 =	vadd.s32 v62, v29;
	v30 =	vmpcnt.ones.xlane vm0  }
0x3c: {  	s21 =	simm.s32 $0x600;
	s20 =	simm.s32 $0x100;
	v31 =	vmpcnt.ones.xlane vm1;
	vm0 =	vlt.f32 v33, v20;
	v29 =	vld.idx.msk [tilespmem:v22+s22+$0x30 ss:$0x1], $0xffff;
	v32 =	vadd.s32 v35, v63  }
.LBB2_5:
0x3d: {  	p0 =	sne.s32 s21, $0x1E00;
	v33 =	vld.idx.msk [tilespmem:v22+s20+$0xFFFFFFC0 ss:$0x1], $0xffff;
	v34 =	vmpcnt.ones.xlane vm0;
	vm0 =	vlt.f32 v27, v20;
	v27 =	vadd.s32 v30, v32  }
0x3e: {  	v32 =	vld.idx.msk [tilespmem:v22+s20+$0xFFFFFFD0 ss:$0x1], $0xffff;
	v30 =	vadd.s32 v27, v31;
	v31 =	vmpcnt.ones.xlane vm0;
	vm0 =	vlt.f32 v24, v20  }
0x3f: {  	v27 =	vld.idx.msk [tilespmem:v22+s20+$0xFFFFFFE0 ss:$0x1], $0xffff;
	v30 =	vadd.s32 v34, v30;
	v34 =	vmpcnt.ones.xlane vm0;
	vm0 =	vlt.f32 v25, v20  }
.Ltmp6:
0x40: {  	v24 =	vld.idx.msk [tilespmem:v22+s20+$0xFFFFFFF0 ss:$0x1], $0xffff;
	v30 =	vadd.s32 v31, v30;
	v31 =	vmpcnt.ones.xlane vm0;
	vm0 =	vlt.f32 v26, v20;
	(pc) =	sbr.rel @p0 .LBB2_5-.Ltmp6, $4  }
0x41: {  	v25 =	vld.idx.msk [tilespmem:v22+s20+$0x0 ss:$0x1], $0xffff;
	v30 =	vadd.s32 v34, v30;
	v34 =	vmpcnt.ones.xlane vm0;
	vm0 =	vlt.f32 v28, v20  }
0x42: {  	v26 =	vld.idx.msk [tilespmem:v22+s20+$0x10 ss:$0x1], $0xffff;
	v30 =	vadd.s32 v31, v30;
	v35 =	vmpcnt.ones.xlane vm0;
	vm0 =	vlt.f32 v29, v20  }
0x43: {  	vm1 =	vlt.f32 v33, v20;
	v28 =	vld.idx.msk [tilespmem:v22+s20+$0x20 ss:$0x1], $0xffff;
	v33 =	vadd.s32 v34, v30;
	v30 =	vmpcnt.ones.xlane vm0  }
0x44: {  	v31 =	vmpcnt.ones.xlane vm1;
	vm0 =	vlt.f32 v32, v20;
	v29 =	vld.idx.msk [tilespmem:v22+s20+$0x30 ss:$0x1], $0xffff;
	s20 =	sshra.s32 s21, $0x2;
	s21 =	sadd.s32 $0x200, s21;
	v32 =	vadd.s32 v35, v33  }
0x45: {  	_ =	sdelay $0x1  }
0x46: {  	v33 =	vmpcnt.ones.xlane vm0;
	vm12 =	vlt.f32 v27, v20  }
0x47: {  	v37 =	vadd.s32 v30, v32;
	vm13 =	vlt.f32 v24, v20;
	v59 =	vor.u32 v18, v19  }
0x48: {  	v38 =	vld.idx.msk [tilespmem:v22+s20+$0xFFFFFFC0 ss:$0x1], $0xffff;
	v19 =	vshrl.u32 v19, $0x1;
	v27 =	vadd.s32 v37, v31;
	v39 =	vmpcnt.ones.xlane vm12  }
0x49: {  	v40 =	vld.idx.msk [tilespmem:v22+s20+$0xFFFFFFD0 ss:$0x1], $0xffff;
	v41 =	vmpcnt.ones.xlane vm13;
	vm14 =	vlt.f32 v25, v20;
	v27 =	vadd.s32 v33, v27  }
0x4a: {  	v42 =	vld.idx.msk [tilespmem:v22+s20+$0xFFFFFFE0 ss:$0x1], $0xffff;
	v43 =	vmpcnt.ones.xlane vm14;
	vm15 =	vlt.f32 v26, v20;
	v27 =	vadd.s32 v39, v27  }
0x4b: {  	v44 =	vld.idx.msk [tilespmem:v22+s20+$0xFFFFFFF0 ss:$0x1], $0xffff;
	v45 =	vmpcnt.ones.xlane vm15;
	vm4 =	vlt.f32 v28, v20;
	v27 =	vadd.s32 v41, v27  }
0x4c: {  	v46 =	vld.idx.msk [tilespmem:v22+s20+$0x0 ss:$0x1], $0xffff;
	v47 =	vmpcnt.ones.xlane vm4;
	vm5 =	vlt.f32 v29, v20;
	v27 =	vadd.s32 v43, v27  }
0x4d: {  	v48 =	vld.idx.msk [tilespmem:v22+s20+$0x10 ss:$0x1], $0xffff;
	vm1 =	vlt.f32 v38, v20;
	v49 =	vmpcnt.ones.xlane vm5;
	v27 =	vadd.s32 v45, v27  }
0x4e: {  	v50 =	vld.idx.msk [tilespmem:v22+s20+$0x20 ss:$0x1], $0xffff;
	vm6 =	vlt.f32 v40, v20;
	v51 =	vmpcnt.ones.xlane vm1;
	v52 =	vadd.s32 v47, v27  }
0x4f: {  	v53 =	vld.idx.msk [tilespmem:v22+s20+$0x30 ss:$0x1], $0xffff;
	vm7 =	vlt.f32 v42, v20;
	v54 =	vmpcnt.ones.xlane vm6;
	v24 =	vadd.s32 v49, v52  }
0x50: {  	vm8 =	vlt.f32 v44, v20;
	v25 =	vmpcnt.ones.xlane vm7;
	v24 =	vadd.s32 v24, v51  }
0x51: {  	vm9 =	vlt.f32 v46, v20;
	v26 =	vmpcnt.ones.xlane vm8;
	v24 =	vadd.s32 v54, v24  }
0x52: {  	vm10 =	vlt.f32 v48, v20;
	v55 =	vmpcnt.ones.xlane vm9;
	v24 =	vadd.s32 v25, v24  }
0x53: {  	vm11 =	vlt.f32 v50, v20;
	v56 =	vmpcnt.ones.xlane vm10;
	v24 =	vadd.s32 v26, v24  }
0x54: {  	s19 =	sadd.s32 $0x1, s19;
	vm12 =	vlt.f32 v53, v20;
	v57 =	vmpcnt.ones.xlane vm11;
	v24 =	vadd.s32 v55, v24  }
0x55: {  	vm13 =	vlt.s32 v59, $0x0;
	p0 =	sne.s32 s19, $0x8;
	v58 =	vmpcnt.ones.xlane vm12;
	v20 =	vadd.s32 v56, v24  }
.Ltmp7:
0x56: {  	v61 =	vor.u32 v18, v19;
	vm14 =	vlt.s32 v18, $0x0;
	v20 =	vadd.s32 v57, v20;
	(pc) =	sbr.rel @p0 .LBB2_4-.Ltmp7, $4  }
0x57: {  	v62 =	vand.u32 $0x7FFFFFFF, v61;
	v24 =	vadd.s32 v58, v20;
	v20 =	vor.u32 v19, v59  }
0x58: {  	v27 =	vxor.u32 $0xFFFFFFFF, v61;
	v60 =	vand.u32 $0x7FFFFFFF, v20;
	v20 =	vxor.u32 $0xFFFFFFFF, v20  }
0x59: {  	v63 =	vsel vm14, v62, v27;
	vm15 =	vlt.s32 v24, $0x400;
	v20 =	vsel vm13, v60, v20  }
0x5a: {  	v18 =	vsel vm15, v59, v18;
	v21 =	vsel vm15, v24, v21;
	v20 =	vsel vm15, v20, v63  }
0x5b: {  	_ =	sdelay $0x3  }
0x5c: {  	[tilespmem:v0+s9+$0x0] =	vst.idx.msk $0xffff, v1  }
0x5d: {  	[tilespmem:v2+s9+$0x0] =	vst.idx.msk $0xffff, v1  }
0x5e: {  	[tilespmem:v3+s9+$0x0] =	vst.idx.msk $0xffff, v1  }
0x5f: {  	[tilespmem:v4+s9+$0x0] =	vst.idx.msk $0xffff, v1  }
0x60: {  	[tilespmem:v5+s9+$0x0] =	vst.idx.msk $0xffff, v1  }
0x61: {  	[tilespmem:v6+s9+$0x0] =	vst.idx.msk $0xffff, v1  }
0x62: {  	[tilespmem:v7+s9+$0x0] =	vst.idx.msk $0xffff, v1  }
0x63: {  	[tilespmem:v8+s9+$0x0] =	vst.idx.msk $0xffff, v1  }
0x64: {  	[tilespmem:v9+s9+$0x0] =	vst.idx.msk $0xffff, v1  }
0x65: {  	[tilespmem:v10+s9+$0x0] =	vst.idx.msk $0xffff, v1  }
0x66: {  	[tilespmem:v11+s9+$0x0] =	vst.idx.msk $0xffff, v1  }
0x67: {  	[tilespmem:v12+s9+$0x0] =	vst.idx.msk $0xffff, v1  }
0x68: {  	[tilespmem:v13+s9+$0x0] =	vst.idx.msk $0xffff, v1  }
0x69: {  	vm0 =	vlt.s32 v18, $0x0;
	v23 =	vand.u32 $0x7FFFFFFF, v18;
	v24 =	vxor.u32 $0xFFFFFFFF, v18;
	[tilespmem:v14+s9+$0x0] =	vst.idx.msk $0xffff, v1  }
0x6a: {  	v23 =	vsel vm0, v23, v24;
	v24 =	vadd.s32 $0x1000000, v18;
	[tilespmem:v15+s9+$0x0] =	vst.idx.msk $0xffff, v1  }
0x6b: {  	v26 =	vsub.s32 $0xFEFFFFFF, v18;
	s19 =	simm.s32 $0x0;
	vm0 =	vlt.s32 v24, $0x0;
	v24 =	vand.u32 $0x7FFFFFFF, v24;
	[tilespmem:v16+s9+$0x0] =	vst.idx.msk $0xffff, v1  }
0x6c: {  	v25 =	vimm.s32 $0x0;
	s20 =	simm.s32 $0x200;
	v24 =	vsel vm0, v24, v26;
	vm0 =	veq.s32 v18, $0xFF000000;
	v26 =	vld.idx.msk [tilespmem:v22+s19+$0xFFFFFFC0 ss:$0x1], $0xffff  }
.LBB2_8:
0x6d: {  	p0 =	sne.s32 s20, $0x1E00;
	v27 =	vld.idx.msk [tilespmem:v22+s19+$0xFFFFFFD0 ss:$0x1], $0xffff;
	s21 =	smov.u32 s20;
	s20 =	sadd.s32 $0x200, s20  }
0x6e: {  	v28 =	vld.idx.msk [tilespmem:v22+s19+$0x0 ss:$0x1], $0xffff;
	_ =	sdelay $0x2  }
0x6f: {  	v29 =	vld.idx.msk [tilespmem:v22+s19+$0xFFFFFFF0 ss:$0x1], $0xffff  }
0x70: {  	v31 =	vadd.s32 v0, v25;
	v30 =	vld.idx.msk [tilespmem:v22+s19+$0xFFFFFFE0 ss:$0x1], $0xffff  }
0x71: {  	vm1 =	vlt.f32 v26, v24;
	vm2 =	vlt.f32 v27, v23;
	vm3 =	vlt.f32 v27, v24  }
0x72: {  	vm4 =	vmor vm0, vm1;
	vm1 =	vmor vm0, vm3;
	vm3 =	vlt.f32 v28, v24;
	v32 =	vld.idx.msk [tilespmem:v22+s19+$0x20 ss:$0x1], $0xffff  }
0x73: {  	vm2 =	vmneg vm2;
	vm5 =	vlt.f32 v28, v23;
	vm3 =	vmor vm0, vm3  }
0x74: {  	vm6 =	vlt.f32 v26, v23;
	vm2 =	vmand vm2, vm1;
	vm1 =	vmneg vm5  }
0x75: {  	s21 =	sshra.s32 s21, $0x2;
	vm5 =	vmneg vm6;
	vm1 =	vmand vm1, vm3;
	vm6 =	vlt.f32 v29, v23  }
0x76: {  	vm7 =	vlt.f32 v29, v24;
	v34 =	vsel vm1, $0x1, v17;
	vm3 =	vlt.f32 v30, v24;
	v33 =	vld.idx.msk [tilespmem:v22+s19+$0x10 ss:$0x1], $0xffff  }
0x77: {  	vm8 =	vmand vm5, vm4;
	vm4 =	vmneg vm6;
	vm5 =	vmor vm0, vm7  }
0x78: {  	vm6 =	vlt.f32 v30, v23;
	vm7 =	vmor vm0, vm3;
	vm3 =	vmand vm4, vm5  }
0x79: {  	v35 =	vsel vm8, $0x1, v17;
	vm4 =	vmneg vm6;
	vm6 =	vlt.f32 v32, v24  }
0x7a: {  	vm5 =	vmand vm4, vm7;
	vm4 =	vlt.f32 v32, v23;
	v37 =	vsel vm3, $0x1, v17;
	v36 =	vld.idx.msk [tilespmem:v22+s19+$0x30 ss:$0x1], $0xffff;
	s19 =	smov.u32 s21  }
0x7b: {  	v25 =	vadd.s32 v35, v25;
	vm4 =	vmneg vm4;
	vm6 =	vmor vm0, vm6  }
0x7c: {  	v35 =	vsel vm2, $0x1, v17;
	vm4 =	vmand vm4, vm6;
	vm7 =	vlt.f32 v33, v23  }
0x7d: {  	v38 =	vadd.s32 v0, v25;
	v39 =	vsel vm4, $0x1, v17;
	vm6 =	vlt.f32 v33, v24;
	[tilespmem:v31+s9+$0x0] =	vst.idx.msk vm8, v26  }
0x7e: {  	v25 =	vadd.s32 v35, v25;
	vm6 =	vmor vm0, vm6;
	v26 =	vsel vm5, $0x1, v17  }
0x7f: {  	vm7 =	vmneg vm7;
	v31 =	vadd.s32 v0, v25;
	v25 =	vadd.s32 v26, v25  }
0x80: {  	vm6 =	vmand vm7, vm6;
	vm7 =	vlt.f32 v36, v23;
	v26 =	vadd.s32 v0, v25  }
0x81: {  	v35 =	vsel vm6, $0x1, v17;
	v25 =	vadd.s32 v37, v25;
	vm7 =	vmneg vm7  }
0x82: {  	vm8 =	vlt.f32 v36, v24;
	v37 =	vadd.s32 v0, v25;
	v25 =	vadd.s32 v34, v25  }
0x83: {  	vm8 =	vmor vm0, vm8;
	v34 =	vadd.s32 v0, v25;
	v25 =	vadd.s32 v35, v25;
	[tilespmem:v38+s9+$0x0] =	vst.idx.msk vm2, v27  }
0x84: {  	vm2 =	vmand vm7, vm8;
	v27 =	vadd.s32 v0, v25;
	v25 =	vadd.s32 v39, v25;
	[tilespmem:v31+s9+$0x0] =	vst.idx.msk vm5, v30  }
0x85: {  	v30 =	vadd.s32 v0, v25;
	v31 =	vsel vm2, $0x1, v17;
	[tilespmem:v26+s9+$0x0] =	vst.idx.msk vm3, v29  }
0x86: {  	v25 =	vadd.s32 v31, v25  }
.Ltmp8:
0x87: {  	[tilespmem:v37+s9+$0x0] =	vst.idx.msk vm1, v28;
	(pc) =	sbr.rel @p0 .LBB2_8-.Ltmp8, $4  }
0x88: {  	[tilespmem:v34+s9+$0x0] =	vst.idx.msk vm6, v33  }
0x89: {  	[tilespmem:v27+s9+$0x0] =	vst.idx.msk vm4, v32  }
0x8a: {  	[tilespmem:v30+s9+$0x0] =	vst.idx.msk vm2, v36  }
0x8b: {  	v26 =	vld.idx.msk [tilespmem:v22+s19+$0xFFFFFFC0 ss:$0x1], $0xffff  }
0x8c: {  	_ =	sdelay $0x3  }
0x8d: {  	v27 =	vld.idx.msk [tilespmem:v22+s19+$0xFFFFFFD0 ss:$0x1], $0xffff  }
0x8e: {  	v28 =	vld.idx.msk [tilespmem:v22+s19+$0x0 ss:$0x1], $0xffff  }
0x8f: {  	v29 =	vld.idx.msk [tilespmem:v22+s19+$0xFFFFFFF0 ss:$0x1], $0xffff  }
0x90: {  	v30 =	vld.idx.msk [tilespmem:v22+s19+$0xFFFFFFE0 ss:$0x1], $0xffff;
	_ =	sdelay $0x1  }
0x91: {  	vm1 =	vlt.f32 v26, v24;
	vm7 =	vlt.f32 v26, v23  }
0x92: {  	v31 =	vld.idx.msk [tilespmem:v22+s19+$0x20 ss:$0x1], $0xffff;
	vm2 =	vlt.f32 v27, v24;
	vm3 =	vlt.f32 v27, v23;
	vm4 =	vmor vm0, vm1  }
0x93: {  	vm15 =	vlt.f32 v28, v24;
	vm5 =	vlt.f32 v28, v23;
	vm9 =	vmneg vm7  }
0x94: {  	vm10 =	vlt.f32 v29, v23;
	vm11 =	vlt.f32 v30, v24;
	vm12 =	vlt.f32 v29, v24  }
0x95: {  	v32 =	vld.idx.msk [tilespmem:v22+s19+$0x10 ss:$0x1], $0xffff;
	vm14 =	vmor vm0, vm2;
	vm3 =	vmneg vm3;
	vm6 =	vmor vm0, vm15  }
0x96: {  	v35 =	vld.idx.msk [tilespmem:v22+s19+$0x30 ss:$0x1], $0xffff;
	vm8 =	vmneg vm5;
	vm4 =	vmand vm9, vm4;
	vm13 =	vmneg vm10  }
0x97: {  	vm15 =	vlt.f32 v30, v23;
	vm10 =	vlt.f32 v31, v24;
	vm2 =	vmand vm3, vm14  }
0x98: {  	vm1 =	vmand vm8, vm6;
	vm14 =	vmor vm0, vm12;
	vm6 =	vmor vm0, vm11  }
0x99: {  	vm9 =	vmneg vm15;
	v34 =	vsel vm4, $0x1, v17;
	vm11 =	vlt.f32 v31, v23  }
0x9a: {  	vm7 =	vmor vm0, vm10;
	vm12 =	vlt.f32 v32, v24;
	vm8 =	vlt.f32 v32, v23  }
0x9b: {  	vm15 =	vlt.f32 v35, v23;
	v33 =	vsel vm1, $0x1, v17;
	vm3 =	vmand vm13, vm14  }
0x9c: {  	vm5 =	vmand vm9, vm6;
	vm6 =	vmneg vm11;
	v34 =	vadd.s32 v34, v25  }
0x9d: {  	v36 =	vsel vm2, $0x1, v17;
	vm8 =	vmneg vm8;
	vm13 =	vlt.f32 v35, v24  }
0x9e: {  	v22 =	vsel vm3, $0x1, v17;
	v36 =	vadd.s32 v36, v34;
	v37 =	vsel vm5, $0x1, v17  }
0x9f: {  	vm6 =	vmand vm6, vm7;
	vm7 =	vmor vm0, vm12;
	v37 =	vadd.s32 v37, v36  }
0xa0: {  	vm14 =	vmor vm0, vm13;
	vm7 =	vmand vm8, vm7;
	v23 =	vadd.s32 v22, v37  }
0xa1: {  	vm8 =	vmneg vm15;
	v22 =	vsel vm7, $0x1, v17;
	v59 =	vadd.s32 v33, v23  }
0xa2: {  	v60 =	vsel vm6, $0x1, v17;
	vm0 =	vmand vm8, vm14;
	v38 =	vadd.s32 v22, v59  }
0xa3: {  	v22 =	vsel vm0, $0x1, v17;
	v33 =	vadd.s32 v60, v38  }
0xa4: {  	v22 =	vadd.s32 v22, v33  }
0xa5: {  	v39 =	vxor.u32 $0x80000000, v22  }
0xa6: {  	(xrf0) =	vmax.scan.msk.u32 $0xffff, v39;
	_ =	sdelay $0x5  }
0xa7: {  	v39, _, _ =	vpop (xrf0)  }
0xa8: {  	(v2sf) =	vpush v39, $0xF;
	_ =	sdelay $0x9  }
0xa9: {  	v61 =	vadd.s32 v0, v25  }
0xaa: {  	v34 =	vadd.s32 v0, v34  }
0xab: {  	v36 =	vadd.s32 v0, v36  }
0xac: {  	v37 =	vadd.s32 v0, v37  }
0xad: {  	v23 =	vadd.s32 v0, v23  }
0xae: {  	[tilespmem:v61+s9+$0x0] =	vst.idx.msk vm4, v26;
	v24 =	vadd.s32 v0, v59;
	s31 =	spop (v2sf)  }
0xaf: {  	[tilespmem:v34+s9+$0x0] =	vst.idx.msk vm2, v27;
	v62 =	vadd.s32 v0, v38;
	s19 =	sxor.u32 $0x80000000, s31  }
0xb0: {  	[tilespmem:v36+s9+$0x0] =	vst.idx.msk vm5, v30;
	v63 =	vadd.s32 v0, v33;
	p0 =	sgt.s32 s19, $0x10  }
.Ltmp9:
0xb1: {  	[tilespmem:v37+s9+$0x0] =	vst.idx.msk vm3, v29;
	(pc) =	sbr.rel @p0 .LBB2_10-.Ltmp9, $4  }
0xb2: {  	[tilespmem:v23+s9+$0x0] =	vst.idx.msk vm1, v28  }
0xb3: {  	[tilespmem:v24+s9+$0x0] =	vst.idx.msk vm7, v32  }
0xb4: {  	[tilespmem:v62+s9+$0x0] =	vst.idx.msk vm6, v31  }
0xb5: {  	v21 =	vsub.s32 $0x3FF, v21;
	s20 =	simm.s32 $0x0;
	[tilespmem:v63+s9+$0x0] =	vst.idx.msk vm0, v35  }
0xb6: {  	_ =	sdelay $0x3  }
0xb7: {  	v36 =	vld.idx.msk [tilespmem:v0+s9+$0x0], $0xffff  }
0xb8: {  	v37 =	vld.idx.msk [tilespmem:v2+s9+$0x0], $0xffff  }
0xb9: {  	v35 =	vld.idx.msk [tilespmem:v3+s9+$0x0], $0xffff  }
0xba: {  	v34 =	vld.idx.msk [tilespmem:v4+s9+$0x0], $0xffff  }
0xbb: {  	v33 =	vld.idx.msk [tilespmem:v5+s9+$0x0], $0xffff  }
0xbc: {  	v32 =	vld.idx.msk [tilespmem:v6+s9+$0x0], $0xffff  }
0xbd: {  	v30 =	vld.idx.msk [tilespmem:v7+s9+$0x0], $0xffff  }
0xbe: {  	v29 =	vld.idx.msk [tilespmem:v8+s9+$0x0], $0xffff  }
0xbf: {  	v28 =	vld.idx.msk [tilespmem:v9+s9+$0x0], $0xffff  }
0xc0: {  	v38 =	vld.idx.msk [tilespmem:v16+s9+$0x0], $0xffff  }
0xc1: {  	v27 =	vld.idx.msk [tilespmem:v10+s9+$0x0], $0xffff  }
0xc2: {  	v26 =	vld.idx.msk [tilespmem:v11+s9+$0x0], $0xffff  }
0xc3: {  	v24 =	vld.idx.msk [tilespmem:v15+s9+$0x0], $0xffff  }
0xc4: {  	v25 =	vld.idx.msk [tilespmem:v12+s9+$0x0], $0xffff  }
0xc5: {  	v23 =	vld.idx.msk [tilespmem:v13+s9+$0x0], $0xffff;
	v39 =	vshrl.u32 v19, $0x1;
	vm2 =	vlt.f32 v38, v20  }
0xc6: {  	v22 =	vld.idx.msk [tilespmem:v14+s9+$0x0], $0xffff;
	s19 =	simm.s32 $0x17;
	vm0 =	vlt.f32 v36, v20;
	vm1 =	vlt.f32 v37, v20;
	v31 =	vmpcnt.ones.xlane vm2  }
.LBB2_14:
0xc7: {  	p0 =	seq.s32 s19, $0x1;
	v40 =	vmpcnt.ones.xlane vm0;
	v41 =	vmpcnt.ones.xlane vm1;
	vm0 =	vlt.f32 v35, v20  }
0xc8: {  	vm1 =	vlt.f32 v34, v20;
	v42 =	vmpcnt.ones.xlane vm0;
	vm0 =	vlt.f32 v24, v20  }
0xc9: {  	v40 =	vadd.s32 v40, v41;
	v41 =	vmpcnt.ones.xlane vm1;
	vm1 =	vlt.f32 v33, v20  }
0xca: {  	v40 =	vadd.s32 v42, v40;
	v42 =	vmpcnt.ones.xlane vm1;
	vm1 =	vlt.f32 v32, v20  }
0xcb: {  	v40 =	vadd.s32 v41, v40;
	v41 =	vmpcnt.ones.xlane vm1;
	vm1 =	vlt.f32 v30, v20  }
0xcc: {  	v40 =	vadd.s32 v42, v40;
	v42 =	vmpcnt.ones.xlane vm1;
	vm1 =	vlt.f32 v29, v20  }
0xcd: {  	v40 =	vadd.s32 v41, v40;
	v41 =	vmpcnt.ones.xlane vm1;
	vm1 =	vlt.f32 v28, v20  }
0xce: {  	v40 =	vadd.s32 v42, v40;
	v42 =	vmpcnt.ones.xlane vm1;
	vm1 =	vlt.f32 v27, v20  }
0xcf: {  	v40 =	vadd.s32 v41, v40;
	v41 =	vmpcnt.ones.xlane vm1;
	vm1 =	vlt.f32 v26, v20  }
0xd0: {  	v40 =	vadd.s32 v42, v40;
	v42 =	vmpcnt.ones.xlane vm1;
	vm1 =	vlt.f32 v25, v20  }
0xd1: {  	v40 =	vadd.s32 v41, v40;
	v41 =	vmpcnt.ones.xlane vm1;
	vm1 =	vlt.f32 v23, v20  }
0xd2: {  	v40 =	vadd.s32 v42, v40;
	v42 =	vmpcnt.ones.xlane vm1;
	vm1 =	vlt.f32 v22, v20  }
0xd3: {  	v20 =	vadd.s32 v41, v40;
	v40 =	vmpcnt.ones.xlane vm1;
	v41 =	vmpcnt.ones.xlane vm0  }
0xd4: {  	vm0 =	vlt.s32 v18, $0x0;
	v20 =	vadd.s32 v42, v20;
	v42 =	vor.u32 v18, v39  }
0xd5: {  	v20 =	vadd.s32 v40, v20;
	v40 =	vor.u32 v18, v19;
	v43 =	vand.u32 $0x7FFFFFFF, v42;
	v19 =	vmovc v39  }
0xd6: {  	v42 =	vxor.u32 $0xFFFFFFFF, v42;
	v20 =	vadd.s32 v41, v20;
	v41 =	vor.u32 v39, v40  }
.Ltmp10:
0xd7: {  	v20 =	vadd.s32 v31, v20;
	v31 =	vand.u32 $0x7FFFFFFF, v41;
	v41 =	vxor.u32 $0xFFFFFFFF, v41;
	(pc) =	sbr.rel @!p0 .LBB2_14-.Ltmp10, $4  }
0xd8: {  	v31 =	vsel vm0, v31, v41;
	v41 =	vsel vm0, v43, v42;
	vm0 =	vgt.s32 v20, v21  }
0xd9: {  	v18 =	vsel vm0, v18, v40;
	v20 =	vsel vm0, v41, v31  }
0xda: {  	v39 =	vshrl.u32 v39, $0x1;
	vm2 =	vlt.f32 v38, v20  }
0xdb: {  	s19 =	sadd.s32 $0xFFFFFFFF, s19;
	vm0 =	vlt.f32 v36, v20;
	vm1 =	vlt.f32 v37, v20;
	v31 =	vmpcnt.ones.xlane vm2  }
0xdc: {  	v36 =	vmpcnt.ones.xlane vm0;
	v37 =	vmpcnt.ones.xlane vm1;
	vm14 =	vlt.f32 v35, v20  }
0xdd: {  	vm15 =	vlt.f32 v34, v20;
	v35 =	vmpcnt.ones.xlane vm14  }
0xde: {  	vm4 =	vlt.f32 v33, v20;
	v44 =	vmpcnt.ones.xlane vm15;
	v43 =	vadd.s32 v36, v37  }
0xdf: {  	vm5 =	vlt.f32 v32, v20;
	v46 =	vmpcnt.ones.xlane vm4;
	v45 =	vadd.s32 v35, v43  }
0xe0: {  	vm6 =	vlt.f32 v30, v20;
	v48 =	vmpcnt.ones.xlane vm5;
	v47 =	vadd.s32 v44, v45  }
0xe1: {  	vm7 =	vlt.f32 v29, v20;
	v50 =	vmpcnt.ones.xlane vm6;
	v49 =	vadd.s32 v46, v47  }
0xe2: {  	vm8 =	vlt.f32 v28, v20;
	v52 =	vmpcnt.ones.xlane vm7;
	v51 =	vadd.s32 v48, v49  }
0xe3: {  	vm9 =	vlt.f32 v27, v20;
	v54 =	vmpcnt.ones.xlane vm8;
	v53 =	vadd.s32 v50, v51  }
0xe4: {  	vm10 =	vlt.f32 v26, v20;
	v56 =	vmpcnt.ones.xlane vm9;
	v55 =	vadd.s32 v52, v53  }
0xe5: {  	vm11 =	vlt.f32 v25, v20;
	v58 =	vmpcnt.ones.xlane vm10;
	v57 =	vadd.s32 v54, v55  }
0xe6: {  	vm12 =	vlt.f32 v23, v20;
	v60 =	vmpcnt.ones.xlane vm11;
	v59 =	vadd.s32 v56, v57  }
0xe7: {  	vm13 =	vlt.f32 v22, v20;
	v62 =	vmpcnt.ones.xlane vm12;
	v61 =	vadd.s32 v58, v59  }
0xe8: {  	vm14 =	vlt.f32 v24, v20;
	v22 =	vmpcnt.ones.xlane vm13;
	v20 =	vadd.s32 v60, v61  }
0xe9: {  	v63 =	vmpcnt.ones.xlane vm14;
	v20 =	vadd.s32 v62, v20  }
.Ltmp11:
0xea: {  	v20 =	vadd.s32 v22, v20;
	(pc) =	sbr.rel .LBB2_23-.Ltmp11, $4  }
0xeb: {  	v20 =	vadd.s32 v63, v20  }
0xec: {  	v20 =	vadd.s32 v31, v20  }
0xed: {  	v19 =	vor.u32 v18, v19;
	vm15 =	vgt.s32 v20, v21  }
0xee: {  	v18 =	vsel vm15, v18, v19  }
.LBB2_10:
0xef: {  	s21 =	simm.s32 $0x0  }
.LBB2_11:
0xf0: {  	p2 =	sne.s32 s19, $0x1  }
.Ltmp12:
0xf1: {  	_ = 	snop;
	(pc) =	sbr.rel @!p2 .LBB2_12-.Ltmp12, $2  }
0xf2: {  	_ =	sdelay $0x2  }
0xf3: {  	v23 =	vimm.s32 $0x0;
	s22 =	simm.s32 $0x1;
	v24 =	vadd.s32 s20, v0;
	p0 =	por $0x0, $0x0;
	p1 =	por $0x0, $0x0  }
0xf4: {  	p2 =	sne.s32 s19, $0x2  }
.Ltmp13:
0xf5: {  	_ = 	snop;
	(pc) =	sbr.rel @!p2 .LBB2_17-.Ltmp13, $2  }
0xf6: {  	_ =	sdelay $0x2  }
0xf7: {  	v27 =	vld.idx.msk [tilespmem:v24+s9+$0x0], $0xffff;
	s23 =	simm.s32 $0x2;
	v24 =	vadd.s32 s22, v0;
	p0 =	por $0x1, $0x1  }
0xf8: {  	_ = 	snop  }
0xf9: {  	p2 =	sne.s32 s19, $0x3  }
.Ltmp14:
0xfa: {  	_ = 	snop;
	(pc) =	sbr.rel @!p2 .LBB2_19-.Ltmp14, $4  }
0xfb: {  	_ = 	snop  }
0xfc: {  	vm1 =	vgt.s32 v22, s20;
	vm0 =	vlt.f32 v27, v20  }
0xfd: {  	vm0 =	vmand vm1, vm0  }
0xfe: {  	s24 =	simm.s32 $0x3;
	p1 =	por $0x1, $0x1;
	v25 =	vimm.s32 $0x0;
	v27 =	vld.idx.msk [tilespmem:v24+s9+$0x0], $0xffff;
	v24 =	vadd.s32 s23, v0;
	v26 =	vmpcnt.ones.xlane vm0  }
.LBB2_20:
0xff: {  	s25 =	smov.u32 s24;
	s24 =	sadd.s32 $0x1, s24  }
0x100: {  	p2 =	sne.s32 s19, s24  }
.Ltmp15:
0x101: {  	v25 =	vadd.s32 v25, v26;
	(pc) =	sbr.rel @p2 .LBB2_20-.Ltmp15, $4  }
0x102: {  	_ = 	snop  }
0x103: {  	vm1 =	vgt.s32 v22, s22;
	s22 =	smov.u32 s23;
	s23 =	smov.u32 s25;
	vm0 =	vlt.f32 v27, v20;
	v27 =	vld.idx.msk [tilespmem:v24+s9+$0x0], $0xffff  }
0x104: {  	v24 =	vadd.s32 s23, v0;
	vm0 =	vmand vm1, vm0  }
0x105: {  	v26 =	vmpcnt.ones.xlane vm0  }
0x106: {  	s24 =	smov.u32 s22;
	s22 =	smov.u32 s23  }
.LBB2_22:
0x107: {  	_ =	sdelay $0x3  }
0x108: {  	v24 =	vld.idx.msk [tilespmem:v24+s9+$0x0], $0xffff  }
0x109: {  	vm1 =	vgt.s32 @p0 v22, s24;
	vm0 =	vlt.f32 @p0 v27, v20  }
0x10a: {  	vm0 =	vmand @p0 vm1, vm0  }
0x10b: {  	v27 =	vmpcnt.ones.xlane @p0 vm0  }
0x10c: {  	v25 =	vadd.s32 @p1 v25, v26  }
0x10d: {  	vm12 =	vlt.f32 v24, v20;
	v20 =	vpsel p0, v27, v0;
	v24 =	vpsel p1, v25, v23  }
0x10e: {  	vm13 =	vgt.s32 v22, s22;
	v59 =	vor.u32 v18, v19;
	s21 =	sadd.s32 $0x1, s21;
	v20 =	vadd.s32 @p0 v24, v20  }
0x10f: {  	v19 =	vshrl.u32 v19, $0x1;
	vm0 =	vmand vm13, vm12;
	v20 =	vpsel p0, v20, v23;
	p0 =	sne.s32 s21, $0x18  }
.Ltmp16:
0x110: {  	vm14 =	vlt.s32 v18, $0x0;
	v61 =	vor.u32 v18, v19;
	v58 =	vmpcnt.ones.xlane vm0;
	(pc) =	sbr.rel @p0 .LBB2_11-.Ltmp16, $4  }
.Ltmp17:
0x111: {  	v62 =	vand.u32 $0x7FFFFFFF, v61;
	v26 =	vxor.u32 $0xFFFFFFFF, v61;
	v23 =	vor.u32 v19, v59;
	(pc) =	sbr.rel @!p0 .LBB2_23-.Ltmp17, $4  }
0x112: {  	v60 =	vand.u32 $0x7FFFFFFF, v23;
	v23 =	vxor.u32 $0xFFFFFFFF, v23;
	v20 =	vadd.s32 v20, v58  }
0x113: {  	v63 =	vsel vm14, v62, v26;
	v23 =	vsel vm14, v60, v23;
	vm15 =	vgt.s32 v20, v21  }
0x114: {  	v18 =	vsel vm15, v18, v59;
	v20 =	vsel vm15, v63, v23  }
0x115: {  	_ = 	snop  }
.LBB2_12:
.Ltmp18:
0x116: {  	(pc) =	sbr.rel .LBB2_22-.Ltmp18, $2  }
0x117: {  	_ =	sdelay $0x2  }
0x118: {  	v25 =	vimm.s32 $0x0;
	s22 =	simm.s32 $0x0  }
.LBB2_17:
.Ltmp19:
0x119: {  	(pc) =	sbr.rel .LBB2_22-.Ltmp19, $2  }
0x11a: {  	_ =	sdelay $0x2  }
0x11b: {  	v25 =	vimm.s32 $0x0;
	s24 =	simm.s32 $0x0  }
.LBB2_19:
.Ltmp20:
0x11c: {  	(pc) =	sbr.rel .LBB2_22-.Ltmp20, $2  }
0x11d: {  	_ =	sdelay $0x2  }
0x11e: {  	v25 =	vimm.s32 $0x0;
	s24 =	simm.s32 $0x1;
	s22 =	simm.s32 $0x2  }
.LBB2_24:
0x11f: {  	s16 =	sshll.u32 s14, $0x1  }
.Ltmp21:
0x120: {  	_ =	swait.ge [sflag:s11], $0x8000;
	s16 =	smin.u32 s16, $0x1D;
	(pc) =	sbr.rel .LBB2_25-.Ltmp21, $4  }
0x121: {  	[sflag:s11] =	ssyncset.done $0x0;
	s16 =	sshll.u32 s16, $0xC  }
0x122: {  	[sflag:s11] =	ssyncadd.s32 $0xFFFF8000;
	s17 =	sadd.s32 s16, s4;
	s16 =	simm.s32 $0x0  }
0x123: {  	[tilespmem:s16], [sflag:$0x1] =	stream.linear.gather [hbm4b:s17+s16], $0x8000, $0x38;
	[tilespmem:$0x10A80] =	vst v63  }
0x124: {  	s17 =	simm.s32 $0x8040  }
.LBB2_45:
0x125: {  	s18 =	sor.u32 s15, s16;
	s16 =	sadd.s32 $0x1, s16  }
0x126: {  	v19 =	vmov s18;
	p0 =	sne.s32 s16, $0x10  }
.Ltmp22:
0x127: {  	_ = 	snop;
	(pc) =	sbr.rel @!p0 .LBB2_46-.Ltmp22, $4  }
0x128: {  	_ = 	snop  }
0x129: {  	vm0 =	vlt.s32 v18, $0x0;
	v20 =	vand.u32 $0x7FFFFFFF, v18;
	v18 =	vxor.u32 $0xFFFFFFFF, v18  }
0x12a: {  	v18 =	vsel vm0, v20, v18  }
0x12b: {  	s17 =	sadd.s32 $0x800, s17;
	[tilespmem:v19+s10+$0x0] =	vst.idx.msk $0x1, v18  }
.LBB2_25:
0x12c: {  	v22 =	vmov s17;
	_ =	sdelay $0x2  }
0x12d: {  	v19 =	vimm.s32 $0x80000000;
	v20 =	vimm.f32 $0.0e+00  }
0x12e: {  	v23 =	vimm.s32 $0x0;
	v21 =	vimm.s32 $0x0;
	v18 =	vimm.s32 $0x0;
	s18 =	simm.s32 $0x0  }
.LBB2_26:
0x12f: {  	_ =	sdelay $0x2  }
0x130: {  	s19 =	simm.s32 $0x0  }
0x131: {  	v24 =	vld.idx.msk [tilespmem:v22+s19+$0xFFFFFFC0 ss:$0x1], $0xffff  }
0x132: {  	v25 =	vld.idx.msk [tilespmem:v22+s19+$0xFFFFFFD0 ss:$0x1], $0xffff  }
0x133: {  	v26 =	vld.idx.msk [tilespmem:v22+s19+$0xFFFFFFE0 ss:$0x1], $0xffff  }
0x134: {  	v27 =	vld.idx.msk [tilespmem:v22+s19+$0xFFFFFFF0 ss:$0x1], $0xffff  }
0x135: {  	v28 =	vld.idx.msk [tilespmem:v22+s19+$0x0 ss:$0x1], $0xffff  }
0x136: {  	v29 =	vld.idx.msk [tilespmem:v22+s19+$0x10 ss:$0x1], $0xffff  }
0x137: {  	v30 =	vld.idx.msk [tilespmem:v22+s19+$0x20 ss:$0x1], $0xffff;
	vm0 =	vlt.f32 v24, v20  }
0x138: {  	s21 =	simm.s32 $0x80;
	v31 =	vld.idx.msk [tilespmem:v22+s19+$0x30 ss:$0x1], $0xffff;
	v24 =	vmpcnt.ones.xlane vm0;
	vm0 =	vlt.f32 v25, v20  }
0x139: {  	v32 =	vld.idx.msk [tilespmem:v22+s21+$0xFFFFFFC0 ss:$0x1], $0xffff;
	v25 =	vmpcnt.ones.xlane vm0;
	vm0 =	vlt.f32 v26, v20  }
0x13a: {  	v33 =	vld.idx.msk [tilespmem:v22+s21+$0xFFFFFFD0 ss:$0x1], $0xffff;
	v24 =	vadd.s32 v23, v24;
	v26 =	vmpcnt.ones.xlane vm0;
	vm0 =	vlt.f32 v27, v20  }
0x13b: {  	v27 =	vld.idx.msk [tilespmem:v22+s21+$0xFFFFFFE0 ss:$0x1], $0xffff;
	v25 =	vadd.s32 v25, v24;
	v34 =	vmpcnt.ones.xlane vm0;
	vm0 =	vlt.f32 v28, v20  }
0x13c: {  	v24 =	vld.idx.msk [tilespmem:v22+s21+$0xFFFFFFF0 ss:$0x1], $0xffff;
	v26 =	vadd.s32 v26, v25;
	v28 =	vmpcnt.ones.xlane vm0;
	vm0 =	vlt.f32 v29, v20  }
0x13d: {  	v25 =	vld.idx.msk [tilespmem:v22+s21+$0x0 ss:$0x1], $0xffff;
	v29 =	vadd.s32 v34, v26;
	v62 =	vmpcnt.ones.xlane vm0;
	vm0 =	vlt.f32 v30, v20  }
0x13e: {  	v26 =	vld.idx.msk [tilespmem:v22+s21+$0x10 ss:$0x1], $0xffff;
	v29 =	vadd.s32 v28, v29;
	v35 =	vmpcnt.ones.xlane vm0;
	vm0 =	vlt.f32 v31, v20  }
0x13f: {  	vm1 =	vlt.f32 v32, v20;
	v28 =	vld.idx.msk [tilespmem:v22+s21+$0x20 ss:$0x1], $0xffff;
	v63 =	vadd.s32 v62, v29;
	v30 =	vmpcnt.ones.xlane vm0  }
0x140: {  	s20 =	simm.s32 $0x600;
	s19 =	simm.s32 $0x100;
	v31 =	vmpcnt.ones.xlane vm1;
	vm0 =	vlt.f32 v33, v20;
	v29 =	vld.idx.msk [tilespmem:v22+s21+$0x30 ss:$0x1], $0xffff;
	v32 =	vadd.s32 v35, v63  }
.LBB2_27:
0x141: {  	p0 =	sne.s32 s20, $0x1E00;
	v33 =	vld.idx.msk [tilespmem:v22+s19+$0xFFFFFFC0 ss:$0x1], $0xffff;
	v34 =	vmpcnt.ones.xlane vm0;
	vm0 =	vlt.f32 v27, v20;
	v27 =	vadd.s32 v30, v32  }
0x142: {  	v32 =	vld.idx.msk [tilespmem:v22+s19+$0xFFFFFFD0 ss:$0x1], $0xffff;
	v30 =	vadd.s32 v27, v31;
	v31 =	vmpcnt.ones.xlane vm0;
	vm0 =	vlt.f32 v24, v20  }
0x143: {  	v27 =	vld.idx.msk [tilespmem:v22+s19+$0xFFFFFFE0 ss:$0x1], $0xffff;
	v30 =	vadd.s32 v34, v30;
	v34 =	vmpcnt.ones.xlane vm0;
	vm0 =	vlt.f32 v25, v20  }
.Ltmp23:
0x144: {  	v24 =	vld.idx.msk [tilespmem:v22+s19+$0xFFFFFFF0 ss:$0x1], $0xffff;
	v30 =	vadd.s32 v31, v30;
	v31 =	vmpcnt.ones.xlane vm0;
	vm0 =	vlt.f32 v26, v20;
	(pc) =	sbr.rel @p0 .LBB2_27-.Ltmp23, $4  }
0x145: {  	v25 =	vld.idx.msk [tilespmem:v22+s19+$0x0 ss:$0x1], $0xffff;
	v30 =	vadd.s32 v34, v30;
	v34 =	vmpcnt.ones.xlane vm0;
	vm0 =	vlt.f32 v28, v20  }
0x146: {  	v26 =	vld.idx.msk [tilespmem:v22+s19+$0x10 ss:$0x1], $0xffff;
	v30 =	vadd.s32 v31, v30;
	v35 =	vmpcnt.ones.xlane vm0;
	vm0 =	vlt.f32 v29, v20  }
0x147: {  	vm1 =	vlt.f32 v33, v20;
	v28 =	vld.idx.msk [tilespmem:v22+s19+$0x20 ss:$0x1], $0xffff;
	v33 =	vadd.s32 v34, v30;
	v30 =	vmpcnt.ones.xlane vm0  }
0x148: {  	v31 =	vmpcnt.ones.xlane vm1;
	vm0 =	vlt.f32 v32, v20;
	v29 =	vld.idx.msk [tilespmem:v22+s19+$0x30 ss:$0x1], $0xffff;
	s19 =	sshra.s32 s20, $0x2;
	s20 =	sadd.s32 $0x200, s20;
	v32 =	vadd.s32 v35, v33  }
0x149: {  	_ =	sdelay $0x1  }
0x14a: {  	v33 =	vmpcnt.ones.xlane vm0;
	vm12 =	vlt.f32 v27, v20  }
0x14b: {  	v37 =	vadd.s32 v30, v32;
	vm13 =	vlt.f32 v24, v20;
	v59 =	vor.u32 v18, v19  }
0x14c: {  	v38 =	vld.idx.msk [tilespmem:v22+s19+$0xFFFFFFC0 ss:$0x1], $0xffff;
	v19 =	vshrl.u32 v19, $0x1;
	v27 =	vadd.s32 v37, v31;
	v39 =	vmpcnt.ones.xlane vm12  }
0x14d: {  	v40 =	vld.idx.msk [tilespmem:v22+s19+$0xFFFFFFD0 ss:$0x1], $0xffff;
	v41 =	vmpcnt.ones.xlane vm13;
	vm14 =	vlt.f32 v25, v20;
	v27 =	vadd.s32 v33, v27  }
0x14e: {  	v42 =	vld.idx.msk [tilespmem:v22+s19+$0xFFFFFFE0 ss:$0x1], $0xffff;
	v43 =	vmpcnt.ones.xlane vm14;
	vm15 =	vlt.f32 v26, v20;
	v27 =	vadd.s32 v39, v27  }
0x14f: {  	v44 =	vld.idx.msk [tilespmem:v22+s19+$0xFFFFFFF0 ss:$0x1], $0xffff;
	v45 =	vmpcnt.ones.xlane vm15;
	vm4 =	vlt.f32 v28, v20;
	v27 =	vadd.s32 v41, v27  }
0x150: {  	v46 =	vld.idx.msk [tilespmem:v22+s19+$0x0 ss:$0x1], $0xffff;
	v47 =	vmpcnt.ones.xlane vm4;
	vm5 =	vlt.f32 v29, v20;
	v27 =	vadd.s32 v43, v27  }
0x151: {  	v48 =	vld.idx.msk [tilespmem:v22+s19+$0x10 ss:$0x1], $0xffff;
	vm1 =	vlt.f32 v38, v20;
	v49 =	vmpcnt.ones.xlane vm5;
	v27 =	vadd.s32 v45, v27  }
0x152: {  	v50 =	vld.idx.msk [tilespmem:v22+s19+$0x20 ss:$0x1], $0xffff;
	vm6 =	vlt.f32 v40, v20;
	v51 =	vmpcnt.ones.xlane vm1;
	v52 =	vadd.s32 v47, v27  }
0x153: {  	v53 =	vld.idx.msk [tilespmem:v22+s19+$0x30 ss:$0x1], $0xffff;
	vm7 =	vlt.f32 v42, v20;
	v54 =	vmpcnt.ones.xlane vm6;
	v24 =	vadd.s32 v49, v52  }
0x154: {  	vm8 =	vlt.f32 v44, v20;
	v25 =	vmpcnt.ones.xlane vm7;
	v24 =	vadd.s32 v24, v51  }
0x155: {  	vm9 =	vlt.f32 v46, v20;
	v26 =	vmpcnt.ones.xlane vm8;
	v24 =	vadd.s32 v54, v24  }
0x156: {  	vm10 =	vlt.f32 v48, v20;
	v55 =	vmpcnt.ones.xlane vm9;
	v24 =	vadd.s32 v25, v24  }
0x157: {  	vm11 =	vlt.f32 v50, v20;
	v56 =	vmpcnt.ones.xlane vm10;
	v24 =	vadd.s32 v26, v24  }
0x158: {  	s18 =	sadd.s32 $0x1, s18;
	vm12 =	vlt.f32 v53, v20;
	v57 =	vmpcnt.ones.xlane vm11;
	v24 =	vadd.s32 v55, v24  }
0x159: {  	vm13 =	vlt.s32 v59, $0x0;
	p0 =	sne.s32 s18, $0x8;
	v58 =	vmpcnt.ones.xlane vm12;
	v20 =	vadd.s32 v56, v24  }
.Ltmp24:
0x15a: {  	v61 =	vor.u32 v18, v19;
	vm14 =	vlt.s32 v18, $0x0;
	v20 =	vadd.s32 v57, v20;
	(pc) =	sbr.rel @p0 .LBB2_26-.Ltmp24, $4  }
0x15b: {  	v62 =	vand.u32 $0x7FFFFFFF, v61;
	v24 =	vadd.s32 v58, v20;
	v20 =	vor.u32 v19, v59  }
0x15c: {  	v27 =	vxor.u32 $0xFFFFFFFF, v61;
	v60 =	vand.u32 $0x7FFFFFFF, v20;
	v20 =	vxor.u32 $0xFFFFFFFF, v20  }
0x15d: {  	v63 =	vsel vm14, v62, v27;
	vm15 =	vlt.s32 v24, $0x400;
	v20 =	vsel vm13, v60, v20  }
0x15e: {  	v18 =	vsel vm15, v59, v18;
	v21 =	vsel vm15, v24, v21;
	v20 =	vsel vm15, v20, v63  }
0x15f: {  	_ =	sdelay $0x3  }
0x160: {  	[tilespmem:v0+s9+$0x0] =	vst.idx.msk $0xffff, v1  }
0x161: {  	[tilespmem:v2+s9+$0x0] =	vst.idx.msk $0xffff, v1  }
0x162: {  	[tilespmem:v3+s9+$0x0] =	vst.idx.msk $0xffff, v1  }
0x163: {  	[tilespmem:v4+s9+$0x0] =	vst.idx.msk $0xffff, v1  }
0x164: {  	[tilespmem:v5+s9+$0x0] =	vst.idx.msk $0xffff, v1  }
0x165: {  	[tilespmem:v6+s9+$0x0] =	vst.idx.msk $0xffff, v1  }
0x166: {  	[tilespmem:v7+s9+$0x0] =	vst.idx.msk $0xffff, v1  }
0x167: {  	[tilespmem:v8+s9+$0x0] =	vst.idx.msk $0xffff, v1  }
0x168: {  	[tilespmem:v9+s9+$0x0] =	vst.idx.msk $0xffff, v1  }
0x169: {  	[tilespmem:v10+s9+$0x0] =	vst.idx.msk $0xffff, v1  }
0x16a: {  	[tilespmem:v11+s9+$0x0] =	vst.idx.msk $0xffff, v1  }
0x16b: {  	[tilespmem:v12+s9+$0x0] =	vst.idx.msk $0xffff, v1  }
0x16c: {  	[tilespmem:v13+s9+$0x0] =	vst.idx.msk $0xffff, v1  }
0x16d: {  	vm0 =	vlt.s32 v18, $0x0;
	v23 =	vand.u32 $0x7FFFFFFF, v18;
	v24 =	vxor.u32 $0xFFFFFFFF, v18;
	[tilespmem:v14+s9+$0x0] =	vst.idx.msk $0xffff, v1  }
0x16e: {  	v23 =	vsel vm0, v23, v24;
	v24 =	vadd.s32 $0x1000000, v18;
	[tilespmem:v15+s9+$0x0] =	vst.idx.msk $0xffff, v1  }
0x16f: {  	v26 =	vsub.s32 $0xFEFFFFFF, v18;
	s18 =	simm.s32 $0x0;
	vm0 =	vlt.s32 v24, $0x0;
	v24 =	vand.u32 $0x7FFFFFFF, v24;
	[tilespmem:v16+s9+$0x0] =	vst.idx.msk $0xffff, v1  }
0x170: {  	v25 =	vimm.s32 $0x0;
	s19 =	simm.s32 $0x200;
	v24 =	vsel vm0, v24, v26;
	vm0 =	veq.s32 v18, $0xFF000000;
	v26 =	vld.idx.msk [tilespmem:v22+s18+$0xFFFFFFC0 ss:$0x1], $0xffff  }
.LBB2_30:
0x171: {  	p0 =	sne.s32 s19, $0x1E00;
	v27 =	vld.idx.msk [tilespmem:v22+s18+$0xFFFFFFD0 ss:$0x1], $0xffff;
	s20 =	smov.u32 s19;
	s19 =	sadd.s32 $0x200, s19  }
0x172: {  	v28 =	vld.idx.msk [tilespmem:v22+s18+$0x0 ss:$0x1], $0xffff;
	_ =	sdelay $0x2  }
0x173: {  	v29 =	vld.idx.msk [tilespmem:v22+s18+$0xFFFFFFF0 ss:$0x1], $0xffff  }
0x174: {  	v31 =	vadd.s32 v0, v25;
	v30 =	vld.idx.msk [tilespmem:v22+s18+$0xFFFFFFE0 ss:$0x1], $0xffff  }
0x175: {  	vm1 =	vlt.f32 v26, v24;
	vm2 =	vlt.f32 v27, v23;
	vm3 =	vlt.f32 v27, v24  }
0x176: {  	vm4 =	vmor vm0, vm1;
	vm1 =	vmor vm0, vm3;
	vm3 =	vlt.f32 v28, v24;
	v32 =	vld.idx.msk [tilespmem:v22+s18+$0x20 ss:$0x1], $0xffff  }
0x177: {  	vm2 =	vmneg vm2;
	vm5 =	vlt.f32 v28, v23;
	vm3 =	vmor vm0, vm3  }
0x178: {  	vm6 =	vlt.f32 v26, v23;
	vm2 =	vmand vm2, vm1;
	vm1 =	vmneg vm5  }
0x179: {  	s20 =	sshra.s32 s20, $0x2;
	vm5 =	vmneg vm6;
	vm1 =	vmand vm1, vm3;
	vm6 =	vlt.f32 v29, v23  }
0x17a: {  	vm7 =	vlt.f32 v29, v24;
	v34 =	vsel vm1, $0x1, v17;
	vm3 =	vlt.f32 v30, v24;
	v33 =	vld.idx.msk [tilespmem:v22+s18+$0x10 ss:$0x1], $0xffff  }
0x17b: {  	vm8 =	vmand vm5, vm4;
	vm4 =	vmneg vm6;
	vm5 =	vmor vm0, vm7  }
0x17c: {  	vm6 =	vlt.f32 v30, v23;
	vm7 =	vmor vm0, vm3;
	vm3 =	vmand vm4, vm5  }
0x17d: {  	v35 =	vsel vm8, $0x1, v17;
	vm4 =	vmneg vm6;
	vm6 =	vlt.f32 v32, v24  }
0x17e: {  	vm5 =	vmand vm4, vm7;
	vm4 =	vlt.f32 v32, v23;
	v37 =	vsel vm3, $0x1, v17;
	v36 =	vld.idx.msk [tilespmem:v22+s18+$0x30 ss:$0x1], $0xffff;
	s18 =	smov.u32 s20  }
0x17f: {  	v25 =	vadd.s32 v35, v25;
	vm4 =	vmneg vm4;
	vm6 =	vmor vm0, vm6  }
0x180: {  	v35 =	vsel vm2, $0x1, v17;
	vm4 =	vmand vm4, vm6;
	vm7 =	vlt.f32 v33, v23  }
0x181: {  	v38 =	vadd.s32 v0, v25;
	v39 =	vsel vm4, $0x1, v17;
	vm6 =	vlt.f32 v33, v24;
	[tilespmem:v31+s9+$0x0] =	vst.idx.msk vm8, v26  }
0x182: {  	v25 =	vadd.s32 v35, v25;
	vm6 =	vmor vm0, vm6;
	v26 =	vsel vm5, $0x1, v17  }
0x183: {  	vm7 =	vmneg vm7;
	v31 =	vadd.s32 v0, v25;
	v25 =	vadd.s32 v26, v25  }
0x184: {  	vm6 =	vmand vm7, vm6;
	vm7 =	vlt.f32 v36, v23;
	v26 =	vadd.s32 v0, v25  }
0x185: {  	v35 =	vsel vm6, $0x1, v17;
	v25 =	vadd.s32 v37, v25;
	vm7 =	vmneg vm7  }
0x186: {  	vm8 =	vlt.f32 v36, v24;
	v37 =	vadd.s32 v0, v25;
	v25 =	vadd.s32 v34, v25  }
0x187: {  	vm8 =	vmor vm0, vm8;
	v34 =	vadd.s32 v0, v25;
	v25 =	vadd.s32 v35, v25;
	[tilespmem:v38+s9+$0x0] =	vst.idx.msk vm2, v27  }
0x188: {  	vm2 =	vmand vm7, vm8;
	v27 =	vadd.s32 v0, v25;
	v25 =	vadd.s32 v39, v25;
	[tilespmem:v31+s9+$0x0] =	vst.idx.msk vm5, v30  }
0x189: {  	v30 =	vadd.s32 v0, v25;
	v31 =	vsel vm2, $0x1, v17;
	[tilespmem:v26+s9+$0x0] =	vst.idx.msk vm3, v29  }
0x18a: {  	v25 =	vadd.s32 v31, v25  }
.Ltmp25:
0x18b: {  	[tilespmem:v37+s9+$0x0] =	vst.idx.msk vm1, v28;
	(pc) =	sbr.rel @p0 .LBB2_30-.Ltmp25, $4  }
0x18c: {  	[tilespmem:v34+s9+$0x0] =	vst.idx.msk vm6, v33  }
0x18d: {  	[tilespmem:v27+s9+$0x0] =	vst.idx.msk vm4, v32  }
0x18e: {  	[tilespmem:v30+s9+$0x0] =	vst.idx.msk vm2, v36  }
0x18f: {  	v26 =	vld.idx.msk [tilespmem:v22+s18+$0xFFFFFFC0 ss:$0x1], $0xffff  }
0x190: {  	_ =	sdelay $0x3  }
0x191: {  	v27 =	vld.idx.msk [tilespmem:v22+s18+$0xFFFFFFD0 ss:$0x1], $0xffff  }
0x192: {  	v28 =	vld.idx.msk [tilespmem:v22+s18+$0x0 ss:$0x1], $0xffff  }
0x193: {  	v29 =	vld.idx.msk [tilespmem:v22+s18+$0xFFFFFFF0 ss:$0x1], $0xffff  }
0x194: {  	v30 =	vld.idx.msk [tilespmem:v22+s18+$0xFFFFFFE0 ss:$0x1], $0xffff;
	_ =	sdelay $0x1  }
0x195: {  	vm1 =	vlt.f32 v26, v24;
	vm7 =	vlt.f32 v26, v23  }
0x196: {  	v31 =	vld.idx.msk [tilespmem:v22+s18+$0x20 ss:$0x1], $0xffff;
	vm2 =	vlt.f32 v27, v24;
	vm3 =	vlt.f32 v27, v23;
	vm4 =	vmor vm0, vm1  }
0x197: {  	vm15 =	vlt.f32 v28, v24;
	vm5 =	vlt.f32 v28, v23;
	vm9 =	vmneg vm7  }
0x198: {  	vm10 =	vlt.f32 v29, v23;
	vm11 =	vlt.f32 v30, v24;
	vm12 =	vlt.f32 v29, v24  }
0x199: {  	v32 =	vld.idx.msk [tilespmem:v22+s18+$0x10 ss:$0x1], $0xffff;
	vm14 =	vmor vm0, vm2;
	vm3 =	vmneg vm3;
	vm6 =	vmor vm0, vm15  }
0x19a: {  	v35 =	vld.idx.msk [tilespmem:v22+s18+$0x30 ss:$0x1], $0xffff;
	vm8 =	vmneg vm5;
	vm4 =	vmand vm9, vm4;
	vm13 =	vmneg vm10  }
0x19b: {  	vm15 =	vlt.f32 v30, v23;
	vm10 =	vlt.f32 v31, v24;
	vm2 =	vmand vm3, vm14  }
0x19c: {  	vm1 =	vmand vm8, vm6;
	vm14 =	vmor vm0, vm12;
	vm6 =	vmor vm0, vm11  }
0x19d: {  	vm9 =	vmneg vm15;
	v34 =	vsel vm4, $0x1, v17;
	vm11 =	vlt.f32 v31, v23  }
0x19e: {  	vm7 =	vmor vm0, vm10;
	vm12 =	vlt.f32 v32, v24;
	vm8 =	vlt.f32 v32, v23  }
0x19f: {  	vm15 =	vlt.f32 v35, v23;
	v33 =	vsel vm1, $0x1, v17;
	vm3 =	vmand vm13, vm14  }
0x1a0: {  	vm5 =	vmand vm9, vm6;
	vm6 =	vmneg vm11;
	v34 =	vadd.s32 v34, v25  }
0x1a1: {  	v36 =	vsel vm2, $0x1, v17;
	vm8 =	vmneg vm8;
	vm13 =	vlt.f32 v35, v24  }
0x1a2: {  	v22 =	vsel vm3, $0x1, v17;
	v36 =	vadd.s32 v36, v34;
	v37 =	vsel vm5, $0x1, v17  }
0x1a3: {  	vm6 =	vmand vm6, vm7;
	vm7 =	vmor vm0, vm12;
	v37 =	vadd.s32 v37, v36  }
0x1a4: {  	vm14 =	vmor vm0, vm13;
	vm7 =	vmand vm8, vm7;
	v23 =	vadd.s32 v22, v37  }
0x1a5: {  	vm8 =	vmneg vm15;
	v22 =	vsel vm7, $0x1, v17;
	v59 =	vadd.s32 v33, v23  }
0x1a6: {  	v60 =	vsel vm6, $0x1, v17;
	vm0 =	vmand vm8, vm14;
	v38 =	vadd.s32 v22, v59  }
0x1a7: {  	v22 =	vsel vm0, $0x1, v17;
	v33 =	vadd.s32 v60, v38  }
0x1a8: {  	v22 =	vadd.s32 v22, v33  }
0x1a9: {  	v39 =	vxor.u32 $0x80000000, v22  }
0x1aa: {  	(xrf0) =	vmax.scan.msk.u32 $0xffff, v39;
	_ =	sdelay $0x5  }
0x1ab: {  	v39, _, _ =	vpop (xrf0)  }
0x1ac: {  	(v2sf) =	vpush v39, $0xF;
	_ =	sdelay $0x9  }
0x1ad: {  	v61 =	vadd.s32 v0, v25  }
0x1ae: {  	v34 =	vadd.s32 v0, v34  }
0x1af: {  	v36 =	vadd.s32 v0, v36  }
0x1b0: {  	v37 =	vadd.s32 v0, v37  }
0x1b1: {  	v23 =	vadd.s32 v0, v23  }
0x1b2: {  	[tilespmem:v61+s9+$0x0] =	vst.idx.msk vm4, v26;
	v24 =	vadd.s32 v0, v59;
	s31 =	spop (v2sf)  }
0x1b3: {  	[tilespmem:v34+s9+$0x0] =	vst.idx.msk vm2, v27;
	v62 =	vadd.s32 v0, v38;
	s18 =	sxor.u32 $0x80000000, s31  }
0x1b4: {  	[tilespmem:v36+s9+$0x0] =	vst.idx.msk vm5, v30;
	v63 =	vadd.s32 v0, v33;
	p0 =	sgt.s32 s18, $0x10  }
.Ltmp26:
0x1b5: {  	[tilespmem:v37+s9+$0x0] =	vst.idx.msk vm3, v29;
	(pc) =	sbr.rel @p0 .LBB2_32-.Ltmp26, $4  }
0x1b6: {  	[tilespmem:v23+s9+$0x0] =	vst.idx.msk vm1, v28  }
0x1b7: {  	[tilespmem:v24+s9+$0x0] =	vst.idx.msk vm7, v32  }
0x1b8: {  	[tilespmem:v62+s9+$0x0] =	vst.idx.msk vm6, v31  }
0x1b9: {  	v21 =	vsub.s32 $0x3FF, v21;
	s19 =	simm.s32 $0x0;
	[tilespmem:v63+s9+$0x0] =	vst.idx.msk vm0, v35  }
0x1ba: {  	_ =	sdelay $0x3  }
0x1bb: {  	v36 =	vld.idx.msk [tilespmem:v0+s9+$0x0], $0xffff  }
0x1bc: {  	v37 =	vld.idx.msk [tilespmem:v2+s9+$0x0], $0xffff  }
0x1bd: {  	v35 =	vld.idx.msk [tilespmem:v3+s9+$0x0], $0xffff  }
0x1be: {  	v34 =	vld.idx.msk [tilespmem:v4+s9+$0x0], $0xffff  }
0x1bf: {  	v33 =	vld.idx.msk [tilespmem:v5+s9+$0x0], $0xffff  }
0x1c0: {  	v32 =	vld.idx.msk [tilespmem:v6+s9+$0x0], $0xffff  }
0x1c1: {  	v30 =	vld.idx.msk [tilespmem:v7+s9+$0x0], $0xffff  }
0x1c2: {  	v29 =	vld.idx.msk [tilespmem:v8+s9+$0x0], $0xffff  }
0x1c3: {  	v28 =	vld.idx.msk [tilespmem:v9+s9+$0x0], $0xffff  }
0x1c4: {  	v38 =	vld.idx.msk [tilespmem:v16+s9+$0x0], $0xffff  }
0x1c5: {  	v27 =	vld.idx.msk [tilespmem:v10+s9+$0x0], $0xffff  }
0x1c6: {  	v26 =	vld.idx.msk [tilespmem:v11+s9+$0x0], $0xffff  }
0x1c7: {  	v24 =	vld.idx.msk [tilespmem:v15+s9+$0x0], $0xffff  }
0x1c8: {  	v25 =	vld.idx.msk [tilespmem:v12+s9+$0x0], $0xffff  }
0x1c9: {  	v23 =	vld.idx.msk [tilespmem:v13+s9+$0x0], $0xffff;
	v39 =	vshrl.u32 v19, $0x1;
	vm2 =	vlt.f32 v38, v20  }
0x1ca: {  	v22 =	vld.idx.msk [tilespmem:v14+s9+$0x0], $0xffff;
	s18 =	simm.s32 $0x17;
	vm0 =	vlt.f32 v36, v20;
	vm1 =	vlt.f32 v37, v20;
	v31 =	vmpcnt.ones.xlane vm2  }
.LBB2_36:
0x1cb: {  	p0 =	seq.s32 s18, $0x1;
	v40 =	vmpcnt.ones.xlane vm0;
	v41 =	vmpcnt.ones.xlane vm1;
	vm0 =	vlt.f32 v35, v20  }
0x1cc: {  	vm1 =	vlt.f32 v34, v20;
	v42 =	vmpcnt.ones.xlane vm0;
	vm0 =	vlt.f32 v24, v20  }
0x1cd: {  	v40 =	vadd.s32 v40, v41;
	v41 =	vmpcnt.ones.xlane vm1;
	vm1 =	vlt.f32 v33, v20  }
0x1ce: {  	v40 =	vadd.s32 v42, v40;
	v42 =	vmpcnt.ones.xlane vm1;
	vm1 =	vlt.f32 v32, v20  }
0x1cf: {  	v40 =	vadd.s32 v41, v40;
	v41 =	vmpcnt.ones.xlane vm1;
	vm1 =	vlt.f32 v30, v20  }
0x1d0: {  	v40 =	vadd.s32 v42, v40;
	v42 =	vmpcnt.ones.xlane vm1;
	vm1 =	vlt.f32 v29, v20  }
0x1d1: {  	v40 =	vadd.s32 v41, v40;
	v41 =	vmpcnt.ones.xlane vm1;
	vm1 =	vlt.f32 v28, v20  }
0x1d2: {  	v40 =	vadd.s32 v42, v40;
	v42 =	vmpcnt.ones.xlane vm1;
	vm1 =	vlt.f32 v27, v20  }
0x1d3: {  	v40 =	vadd.s32 v41, v40;
	v41 =	vmpcnt.ones.xlane vm1;
	vm1 =	vlt.f32 v26, v20  }
0x1d4: {  	v40 =	vadd.s32 v42, v40;
	v42 =	vmpcnt.ones.xlane vm1;
	vm1 =	vlt.f32 v25, v20  }
0x1d5: {  	v40 =	vadd.s32 v41, v40;
	v41 =	vmpcnt.ones.xlane vm1;
	vm1 =	vlt.f32 v23, v20  }
0x1d6: {  	v40 =	vadd.s32 v42, v40;
	v42 =	vmpcnt.ones.xlane vm1;
	vm1 =	vlt.f32 v22, v20  }
0x1d7: {  	v20 =	vadd.s32 v41, v40;
	v40 =	vmpcnt.ones.xlane vm1;
	v41 =	vmpcnt.ones.xlane vm0  }
0x1d8: {  	vm0 =	vlt.s32 v18, $0x0;
	v20 =	vadd.s32 v42, v20;
	v42 =	vor.u32 v18, v39  }
0x1d9: {  	v20 =	vadd.s32 v40, v20;
	v40 =	vor.u32 v18, v19;
	v43 =	vand.u32 $0x7FFFFFFF, v42;
	v19 =	vmovc v39  }
0x1da: {  	v42 =	vxor.u32 $0xFFFFFFFF, v42;
	v20 =	vadd.s32 v41, v20;
	v41 =	vor.u32 v39, v40  }
.Ltmp27:
0x1db: {  	v20 =	vadd.s32 v31, v20;
	v31 =	vand.u32 $0x7FFFFFFF, v41;
	v41 =	vxor.u32 $0xFFFFFFFF, v41;
	(pc) =	sbr.rel @!p0 .LBB2_36-.Ltmp27, $4  }
0x1dc: {  	v31 =	vsel vm0, v31, v41;
	v41 =	vsel vm0, v43, v42;
	vm0 =	vgt.s32 v20, v21  }
0x1dd: {  	v18 =	vsel vm0, v18, v40;
	v20 =	vsel vm0, v41, v31  }
0x1de: {  	v39 =	vshrl.u32 v39, $0x1;
	vm2 =	vlt.f32 v38, v20  }
0x1df: {  	s18 =	sadd.s32 $0xFFFFFFFF, s18;
	vm0 =	vlt.f32 v36, v20;
	vm1 =	vlt.f32 v37, v20;
	v31 =	vmpcnt.ones.xlane vm2  }
0x1e0: {  	v36 =	vmpcnt.ones.xlane vm0;
	v37 =	vmpcnt.ones.xlane vm1;
	vm14 =	vlt.f32 v35, v20  }
0x1e1: {  	vm15 =	vlt.f32 v34, v20;
	v35 =	vmpcnt.ones.xlane vm14  }
0x1e2: {  	vm4 =	vlt.f32 v33, v20;
	v44 =	vmpcnt.ones.xlane vm15;
	v43 =	vadd.s32 v36, v37  }
0x1e3: {  	vm5 =	vlt.f32 v32, v20;
	v46 =	vmpcnt.ones.xlane vm4;
	v45 =	vadd.s32 v35, v43  }
0x1e4: {  	vm6 =	vlt.f32 v30, v20;
	v48 =	vmpcnt.ones.xlane vm5;
	v47 =	vadd.s32 v44, v45  }
0x1e5: {  	vm7 =	vlt.f32 v29, v20;
	v50 =	vmpcnt.ones.xlane vm6;
	v49 =	vadd.s32 v46, v47  }
0x1e6: {  	vm8 =	vlt.f32 v28, v20;
	v52 =	vmpcnt.ones.xlane vm7;
	v51 =	vadd.s32 v48, v49  }
0x1e7: {  	vm9 =	vlt.f32 v27, v20;
	v54 =	vmpcnt.ones.xlane vm8;
	v53 =	vadd.s32 v50, v51  }
0x1e8: {  	vm10 =	vlt.f32 v26, v20;
	v56 =	vmpcnt.ones.xlane vm9;
	v55 =	vadd.s32 v52, v53  }
0x1e9: {  	vm11 =	vlt.f32 v25, v20;
	v58 =	vmpcnt.ones.xlane vm10;
	v57 =	vadd.s32 v54, v55  }
0x1ea: {  	vm12 =	vlt.f32 v23, v20;
	v60 =	vmpcnt.ones.xlane vm11;
	v59 =	vadd.s32 v56, v57  }
0x1eb: {  	vm13 =	vlt.f32 v22, v20;
	v62 =	vmpcnt.ones.xlane vm12;
	v61 =	vadd.s32 v58, v59  }
0x1ec: {  	vm14 =	vlt.f32 v24, v20;
	v22 =	vmpcnt.ones.xlane vm13;
	v20 =	vadd.s32 v60, v61  }
0x1ed: {  	v63 =	vmpcnt.ones.xlane vm14;
	v20 =	vadd.s32 v62, v20  }
.Ltmp28:
0x1ee: {  	v20 =	vadd.s32 v22, v20;
	(pc) =	sbr.rel .LBB2_45-.Ltmp28, $4  }
0x1ef: {  	v20 =	vadd.s32 v63, v20  }
0x1f0: {  	v20 =	vadd.s32 v31, v20  }
0x1f1: {  	v19 =	vor.u32 v18, v19;
	vm15 =	vgt.s32 v20, v21  }
0x1f2: {  	v18 =	vsel vm15, v18, v19  }
.LBB2_32:
0x1f3: {  	s20 =	simm.s32 $0x0  }
.LBB2_33:
0x1f4: {  	p2 =	sne.s32 s18, $0x1  }
.Ltmp29:
0x1f5: {  	_ = 	snop;
	(pc) =	sbr.rel @!p2 .LBB2_34-.Ltmp29, $2  }
0x1f6: {  	_ =	sdelay $0x2  }
0x1f7: {  	v23 =	vimm.s32 $0x0;
	s21 =	simm.s32 $0x1;
	v24 =	vadd.s32 s19, v0;
	p0 =	por $0x0, $0x0;
	p1 =	por $0x0, $0x0  }
0x1f8: {  	p2 =	sne.s32 s18, $0x2  }
.Ltmp30:
0x1f9: {  	_ = 	snop;
	(pc) =	sbr.rel @!p2 .LBB2_39-.Ltmp30, $2  }
0x1fa: {  	_ =	sdelay $0x2  }
0x1fb: {  	v27 =	vld.idx.msk [tilespmem:v24+s9+$0x0], $0xffff;
	s22 =	simm.s32 $0x2;
	v24 =	vadd.s32 s21, v0;
	p0 =	por $0x1, $0x1  }
0x1fc: {  	_ = 	snop  }
0x1fd: {  	p2 =	sne.s32 s18, $0x3  }
.Ltmp31:
0x1fe: {  	_ = 	snop;
	(pc) =	sbr.rel @!p2 .LBB2_41-.Ltmp31, $4  }
0x1ff: {  	_ = 	snop  }
0x200: {  	vm1 =	vgt.s32 v22, s19;
	vm0 =	vlt.f32 v27, v20  }
0x201: {  	vm0 =	vmand vm1, vm0  }
0x202: {  	s23 =	simm.s32 $0x3;
	p1 =	por $0x1, $0x1;
	v25 =	vimm.s32 $0x0;
	v27 =	vld.idx.msk [tilespmem:v24+s9+$0x0], $0xffff;
	v24 =	vadd.s32 s22, v0;
	v26 =	vmpcnt.ones.xlane vm0  }
.LBB2_42:
0x203: {  	s24 =	smov.u32 s23;
	s23 =	sadd.s32 $0x1, s23  }
0x204: {  	p2 =	sne.s32 s18, s23  }
.Ltmp32:
0x205: {  	v25 =	vadd.s32 v25, v26;
	(pc) =	sbr.rel @p2 .LBB2_42-.Ltmp32, $4  }
0x206: {  	_ = 	snop  }
0x207: {  	vm1 =	vgt.s32 v22, s21;
	s21 =	smov.u32 s22;
	s22 =	smov.u32 s24;
	vm0 =	vlt.f32 v27, v20;
	v27 =	vld.idx.msk [tilespmem:v24+s9+$0x0], $0xffff  }
0x208: {  	v24 =	vadd.s32 s22, v0;
	vm0 =	vmand vm1, vm0  }
0x209: {  	v26 =	vmpcnt.ones.xlane vm0  }
0x20a: {  	s23 =	smov.u32 s21;
	s21 =	smov.u32 s22  }
.LBB2_44:
0x20b: {  	_ =	sdelay $0x3  }
0x20c: {  	v24 =	vld.idx.msk [tilespmem:v24+s9+$0x0], $0xffff  }
0x20d: {  	vm1 =	vgt.s32 @p0 v22, s23;
	vm0 =	vlt.f32 @p0 v27, v20  }
0x20e: {  	vm0 =	vmand @p0 vm1, vm0  }
0x20f: {  	v27 =	vmpcnt.ones.xlane @p0 vm0  }
0x210: {  	v25 =	vadd.s32 @p1 v25, v26  }
0x211: {  	vm12 =	vlt.f32 v24, v20;
	v20 =	vpsel p0, v27, v0;
	v24 =	vpsel p1, v25, v23  }
0x212: {  	vm13 =	vgt.s32 v22, s21;
	v59 =	vor.u32 v18, v19;
	s20 =	sadd.s32 $0x1, s20;
	v20 =	vadd.s32 @p0 v24, v20  }
0x213: {  	v19 =	vshrl.u32 v19, $0x1;
	vm0 =	vmand vm13, vm12;
	v20 =	vpsel p0, v20, v23;
	p0 =	sne.s32 s20, $0x18  }
.Ltmp33:
0x214: {  	vm14 =	vlt.s32 v18, $0x0;
	v61 =	vor.u32 v18, v19;
	v58 =	vmpcnt.ones.xlane vm0;
	(pc) =	sbr.rel @p0 .LBB2_33-.Ltmp33, $4  }
.Ltmp34:
0x215: {  	v62 =	vand.u32 $0x7FFFFFFF, v61;
	v26 =	vxor.u32 $0xFFFFFFFF, v61;
	v23 =	vor.u32 v19, v59;
	(pc) =	sbr.rel @!p0 .LBB2_45-.Ltmp34, $4  }
0x216: {  	v60 =	vand.u32 $0x7FFFFFFF, v23;
	v23 =	vxor.u32 $0xFFFFFFFF, v23;
	v20 =	vadd.s32 v20, v58  }
0x217: {  	v63 =	vsel vm14, v62, v26;
	v23 =	vsel vm14, v60, v23;
	vm15 =	vgt.s32 v20, v21  }
0x218: {  	v18 =	vsel vm15, v18, v59;
	v20 =	vsel vm15, v63, v23  }
0x219: {  	_ = 	snop  }
.LBB2_34:
.Ltmp35:
0x21a: {  	(pc) =	sbr.rel .LBB2_44-.Ltmp35, $2  }
0x21b: {  	_ =	sdelay $0x2  }
0x21c: {  	v25 =	vimm.s32 $0x0;
	s21 =	simm.s32 $0x0  }
.LBB2_39:
.Ltmp36:
0x21d: {  	(pc) =	sbr.rel .LBB2_44-.Ltmp36, $2  }
0x21e: {  	_ =	sdelay $0x2  }
0x21f: {  	v25 =	vimm.s32 $0x0;
	s23 =	simm.s32 $0x0  }
.LBB2_41:
.Ltmp37:
0x220: {  	(pc) =	sbr.rel .LBB2_44-.Ltmp37, $2  }
0x221: {  	_ =	sdelay $0x2  }
0x222: {  	v25 =	vimm.s32 $0x0;
	s23 =	simm.s32 $0x1;
	s21 =	simm.s32 $0x2  }
.LBB2_48:
0x223: {  	_ =	sfence.sel $0x180000  }
0x224: {  	[bflag:$0x0] =	sbarrier.arrive $0xFFFF  }
0x225: {  	p0 =	sne.s32 s1, $0x0;
	_ =	strace $0x9000004A  }
0x226: {  	s0 =	sadd.s32 @!p0 $0x100000, s0;
	[bflag:$0x2] =	sbarrier.arrive $0xFFFF  }
0x227: {  	[sflag:s0] =	ssyncadd.tile.s32 @!p0 $0x1;
	_ =	shalt  }
.Lfunc_end2:
_tile_overlayer_lowered:
.L_overlay_start_2:
0x228: {  	(tag) =	ssettag $0x2  }
0x229: {  	s0 =	rddreg [dreg:$0x0];
	s2 =	stileid.u32  }
0x22a: {  	s1 =	rddreg [dreg:$0x1];
	p0 =	sne.s32 s2, $0x0  }
0x22b: {  	s3 =	rddreg [dreg:$0x2];
	[bflag:$0x3] =	sbarrier.arrive $0xFFFF;
	s2 =	simm.s32 @!p0 $0x1C03  }
0x22c: {  	[timem:s3], [sflag:s2] =	dma.local @!p0 [hbm:s0], s1  }
0x22d: {  	s0 =	simm.s32 @!p0 $0x3  }
0x22e: {  	_ =	swait.ge @!p0 [sflag:s0], s1  }
0x22f: {  	s1 =	ssub.s32 @!p0 $0x0, s1;
	[sflag:s0] =	ssyncset.done @!p0 $0x0  }
0x230: {  	[sflag:s0] =	ssyncadd.s32 @!p0 s1  }
0x231: {  	[bflag:$0x3] =	sbarrier.arrive $0xFFFF  }
0x232: {  	_ =	shalt  }

// kernel: sparse-core-data-format-call.cloned.1.call-start
scs
called_computation_lowered:
.L_overlay_start_0:
0x0: {  	s2 =	sld [smem:$0x3FD9]  }
0x1: {  	s3 =	sld [smem:$0x3FFE];
	_ =	sdelay $0x1  }
0x2: {  	s1 =	srdreg.scid  }
0x3: {  	s0 =	sand.u32 $0x1, s1  }
0x4: {  	s18 =	sshll.u32 s0, $0xA;
	s2 =	sadd.s32 s3, s2  }
0x5: {  	s2 =	sadd.s32 s2, s18  }
0x6: {  	[smem:$0x3FC7] =	sst s2  }
0x7: {  	_ = 	snop  }
0x8: {  	s2 =	sld [smem:$0x3FC9];
	(tm) =	ssettm $0x1  }
0x9: {  	s19 =	sld [smem:$0x3FFB];
	_ =	sdelay $0x3  }
0xa: {  	_ =	strace s19  }
0xb: {  	s3 =	sld [smem:$0x3FFC];
	_ =	sdelay $0x3  }
0xc: {  	_ =	strace s3  }
0xd: {  	s3 =	sld [smem:$0x3FFD];
	_ =	sdelay $0x3  }
0xe: {  	_ =	strace s3  }
0xf: {  	_ =	strace $0x8FFFFFFF  }
0x10: {  	s20 =	sld [smem:$0x3FDB];
	_ =	sdelay $0x1  }
0x11: {  	s4 =	simm.s32 $_scs_section_size  }
0x12: {  	s5 =	simm.s32 $_size__tile_overlayer_lowered;
	s6 =	simm.s32 $_tile_overlayer_lowered  }
0x13: {  	s23 =	simm.s32 $0x1BFF;
	s22 =	sshll.u32 s6, $0x1;
	s3 =	sadd.s32 s4, s20  }
0x14: {  	s7 =	simm.s32 $0x0;
	s21 =	sshll.u32 s5, $0x1;
	s5 =	sadd.s32 s22, s3  }
0x15: {  	[timem:s7], [sflag:s23] =	dma.local [hbm:s5], s21  }
0x16: {  	_ =	swait.ge [sflag:s23], s21  }
0x17: {  	s4 =	ssub.s32 $0x0, s21;
	[sflag:s23] =	ssyncset.done $0x0  }
0x18: {  	[sflag:s23] =	ssyncadd.s32 s4;
	_ =	sdelay $0x1  }
0x19: {  	s24 =	simm.s32 $0x1B8B  }
0x1a: {  	_ =	swait.ge [sflag:s24], $0x1  }
0x1b: {  	[sflag:s24] =	ssyncset.done $0x0  }
0x1c: {  	s26 =	simm.s32 $0x1B8E;
	s25 =	sld [smem:$0x3FFE];
	[sflag:s24] =	ssyncadd.s32 $0xFFFFFFFF  }
0x1d: {  	s27 =	simm.s32 $execute0_lowered;
	[smem:$0x3FD2] =	sst s26  }
0x1e: {  	s5 =	sshll.u32 s27, $0x1;
	_ =	strace $0x80000046;
	[dreg:$0x1] =	wrdreg $0xFFFFFFFF  }
0x1f: {  	s28 =	simm.s32 $_size_execute0_lowered;
	s3 =	sadd.s32 s3, s5;
	[dreg:$0x0] =	wrdreg $0x0  }
0x20: {  	s5 =	sshll.u32 s28, $0x1;
	[dreg:$0x2] =	wrdreg s3  }
0x21: {  	[dreg:$0x3] =	wrdreg s5  }
0x22: {  	[dreg:$0x4] =	wrdreg $0xC0  }
0x23: {  	_ =	task [dreg:s7], $0x5FFFF  }
0x24: {  	[dreg:$0x1] =	wrdreg $0xFFFFFFFF  }
0x25: {  	[dreg:$0x0] =	wrdreg $0x60  }
0x26: {  	[dreg:$0x2] =	wrdreg s2  }
0x27: {  	[dreg:$0x3] =	wrdreg s25  }
0x28: {  	[dreg:$0x4] =	wrdreg $0x9  }
0x29: {  	_ =	task.clear_ibuf [dreg:s7], $0x5FFFF;
	_ =	strace $0x90000046  }
0x2a: {  	s29 =	simm.s32 $0x9;
	_ =	strace $0x80000048  }
0x2b: {  	_ =	swait.ge [sflag:s29], $0x1  }
0x2c: {  	[sflag:s29] =	ssyncadd.s32 $0xFFFFFFFF  }
0x2d: {  	_ =	strace $0x90000048  }
0x2e: {  	_ =	sfence  }
0x2f: {  	s30 =	sld [smem:$0x0];
	_ =	sdelay $0x2  }
0x30: {  	s31 =	sshll.u32 s1, $0xD;
	s1 =	sshrl.u32 s1, $0x2  }
0x31: {  	s3 =	sand.u32 $0x4000, s31;
	s1 =	sadd.s32 s1, s30  }
0x32: {  	s0 =	sor.u32 s3, s0;
	s1 =	sshll.u32 s1, $0x11  }
0x33: {  	s0 =	sor.u32 s1, s0  }
0x34: {  	s0 =	sadd.s32 $0x8F2B, s0  }
0x35: {  	[sflag:s0] =	ssyncadd.remote.s32 $0x1  }
0x36: {  	_ =	sfence.sel $0xFFFF  }
0x37: {  	[dreg:$0x0] =	wrdreg $0xFFFFFFFF;
	(pc) =	sbr.abs _section_cstart, $3  }
0x38: {  	[dreg:$0x1] =	wrdreg $0xFFFFFFFF  }
0x39: {  	_ =	task.clear_ibuf [dreg:s7], $0x2FFFF;
	_ =	strace $0x9FFFFFFF  }
0x3a: {  	(tm) =	ssettm $0x7FFFFFFF  }
0x3b: {  	_ =	shalt  }
tec
execute0_lowered:
.L_overlay_start_1:
0x0: {  	(tag) =	ssettag $0x1  }
0x1: {  	s2 =	rddreg [dreg:$0x0]  }
0x2: {  	s1 =	rddreg [dreg:$0x1]  }
0x3: {  	s0 =	rddreg [dreg:$0x2];
	_ =	strace $0x80000047;
	s4 =	srdreg.scid  }
.Ltmp0:
0x4: {  	s6 =	simm.s32 $0x2;
	p0 =	por $0x0, $0x0;
	(pc) =	sbr.rel .LBB1_1-.Ltmp0, $4  }
0x5: {  	s9 =	simm.s32 $0x0;
	s3 =	sadd.s32 $0x800, s1;
	s5 =	sshll.u32 s4, $0x4  }
0x6: {  	s1 =	stileid.u32;
	s4 =	simm.s32 $0x1;
	s5 =	sand.u32 $0x10, s5  }
0x7: {  	s7 =	simm.s32 $0x0;
	[sflag:s4] =	ssyncpa.u1 $0x0;
	s5 =	sor.u32 s1, s5  }
0x8: {  	[sflag:s6] =	ssyncpa.u1 $0x0;
	s6 =	simm.s32 $0x0;
	s8 =	smov.u32 s5  }
.LBB1_7:
0x9: {  	s11 =	sadd.s32 $0x20, s8  }
0xa: {  	p1 =	slt.u32 s7, $0x2;
	s7 =	sadd.s32 $0x1, s7;
	p2 =	sgt.s32 s11, $0x7FF  }
0xb: {  	s11 =	smov.u32 @p2 s5;
	p2 =	sne.s32 s7, $0x42  }
.Ltmp1:
0xc: {  	_ = 	snop;
	(pc) =	sbr.rel @!p2 .LBB1_8-.Ltmp1, $4  }
0xd: {  	s10 =	simm.s32 @!p1 $0x2  }
0xe: {  	_ =	swait.ge @!p1 [sflag:s10], $0x4000  }
0xf: {  	s9 =	smov.u32 s8;
	[sflag:s10] =	ssyncset.done @!p1 $0x0  }
0x10: {  	p0 =	por !p0, !p0;
	s8 =	smov.u32 s11;
	[sflag:s10] =	ssyncadd.s32 @!p1 $0xFFFFC000  }
.LBB1_1:
0x11: {  	p1 =	sgt.u32 s7, $0x3F  }
0x12: {  	s10 =	sxor.u32 @!p1 $0xFFFFFFFF, s7  }
0x13: {  	s11 =	sshll.u32 @!p1 s8, $0xB;
	s10 =	sshll.u32 @!p1 s10, $0xE  }
0x14: {  	s12 =	simm.s32 @!p1 $0x0;
	s11 =	sadd.s32 @!p1 s2, s11;
	s10 =	sand.u32 @!p1 $0x4000, s10  }
0x15: {  	[tilespmem:s10], [sflag:$0x1] =	stream.linear.gather @!p1 [hbm4b:s11+s12], $0x4000, $0x38;
	[tilespmem:$0x10000] =	vst v63  }
0x16: {  	p1 =	seq.s32 s7, $0x0  }
0x17: {  	p2 =	seq.s32 @!p1 s7, $0x41  }
0x18: {  	p1 =	por p1, p2  }
.Ltmp2:
0x19: {  	_ = 	snop;
	(pc) =	sbr.rel @p1 .LBB1_7-.Ltmp2, $1  }
0x1a: {  	_ =	sdelay $0x3  }
0x1b: {  	s10 =	simm.s32 $0x1;
	_ =	swait.ge [sflag:s4], $0x4000;
	s12 =	sshll.u32 s7, $0xE  }
0x1c: {  	s13 =	simm.s32 $0x0;
	s10 =	simm.s32 @!p0 $0x0;
	[sflag:s4] =	ssyncset.done $0x0  }
0x1d: {  	s12 =	sand.u32 $0x4000, s12;
	s11 =	sshll.u32 s10, $0xE;
	[sflag:s4] =	ssyncadd.s32 $0xFFFFC000  }
0x1e: {  	s12 =	sor.u32 $0x8000, s12;
	s10 =	sor.u32 $0x8040, s11;
	s11 =	sor.u32 $0x40, s11  }
.LBB1_3:
0x1f: {  	v0 =	vmov s11;
	_ =	sdelay $0x3  }
0x20: {  	s15 =	simm.s32 $0x0  }
0x21: {  	v6 =	vld.idx.msk [tilespmem:v0+s15+$0x30 ss:$0x1], $0xffff  }
0x22: {  	v7 =	vld.idx.msk [tilespmem:v0+s15+$0xFFFFFFC0 ss:$0x1], $0xffff  }
0x23: {  	v5 =	vld.idx.msk [tilespmem:v0+s15+$0xFFFFFFD0 ss:$0x1], $0xffff  }
0x24: {  	v4 =	vld.idx.msk [tilespmem:v0+s15+$0xFFFFFFE0 ss:$0x1], $0xffff  }
0x25: {  	v3 =	vld.idx.msk [tilespmem:v0+s15+$0xFFFFFFF0 ss:$0x1], $0xffff  }
0x26: {  	v1 =	vld.idx.msk [tilespmem:v0+s15+$0x0 ss:$0x1], $0xffff  }
0x27: {  	v2 =	vld.idx.msk [tilespmem:v0+s15+$0x10 ss:$0x1], $0xffff;
	[tilespmem:s10+$0x30] =	vst v6  }
0x28: {  	s14 =	simm.s32 $0x80;
	s16 =	simm.s32 $0x400;
	[tilespmem:s10+$0xFFFFFFC0] =	vst v7;
	v6 =	vld.idx.msk [tilespmem:v0+s15+$0x20 ss:$0x1], $0xffff;
	s15 =	smov.u32 s10  }
.LBB1_4:
0x29: {  	p1 =	sne.s32 s16, $0xE00;
	v7 =	vld.idx.msk [tilespmem:v0+s14+$0x30 ss:$0x1], $0xffff;
	[tilespmem:s15+$0xFFFFFFD0] =	vst v5  }
0x2a: {  	v8 =	vld.idx.msk [tilespmem:v0+s14+$0xFFFFFFC0 ss:$0x1], $0xffff;
	[tilespmem:s15+$0xFFFFFFE0] =	vst v4  }
0x2b: {  	v5 =	vld.idx.msk [tilespmem:v0+s14+$0xFFFFFFD0 ss:$0x1], $0xffff;
	[tilespmem:s15+$0xFFFFFFF0] =	vst v3  }
.Ltmp3:
0x2c: {  	v4 =	vld.idx.msk [tilespmem:v0+s14+$0xFFFFFFE0 ss:$0x1], $0xffff;
	[tilespmem:s15+$0x0] =	vst v1;
	(pc) =	sbr.rel @p1 .LBB1_4-.Ltmp3, $4  }
0x2d: {  	v3 =	vld.idx.msk [tilespmem:v0+s14+$0xFFFFFFF0 ss:$0x1], $0xffff;
	[tilespmem:s15+$0x10] =	vst v2  }
0x2e: {  	v1 =	vld.idx.msk [tilespmem:v0+s14+$0x0 ss:$0x1], $0xffff;
	[tilespmem:s15+$0x20] =	vst v6;
	s15 =	sadd.s32 $0x800, s15  }
0x2f: {  	v2 =	vld.idx.msk [tilespmem:v0+s14+$0x10 ss:$0x1], $0xffff;
	[tilespmem:s15+$0x30] =	vst v7  }
0x30: {  	[tilespmem:s15+$0xFFFFFFC0] =	vst v8;
	v6 =	vld.idx.msk [tilespmem:v0+s14+$0x20 ss:$0x1], $0xffff;
	s14 =	sshra.s32 s16, $0x2;
	s16 =	sadd.s32 $0x200, s16  }
0x31: {  	_ =	sdelay $0x2  }
0x32: {  	[tilespmem:s15+$0xFFFFFFD0] =	vst v5  }
0x33: {  	v56 =	vld.idx.msk [tilespmem:v0+s14+$0x30 ss:$0x1], $0xffff;
	[tilespmem:s15+$0xFFFFFFE0] =	vst v4  }
0x34: {  	v57 =	vld.idx.msk [tilespmem:v0+s14+$0xFFFFFFC0 ss:$0x1], $0xffff;
	[tilespmem:s15+$0xFFFFFFF0] =	vst v3  }
0x35: {  	v58 =	vld.idx.msk [tilespmem:v0+s14+$0xFFFFFFD0 ss:$0x1], $0xffff;
	[tilespmem:s15+$0x0] =	vst v1  }
0x36: {  	v59 =	vld.idx.msk [tilespmem:v0+s14+$0xFFFFFFE0 ss:$0x1], $0xffff;
	[tilespmem:s15+$0x10] =	vst v2  }
0x37: {  	v60 =	vld.idx.msk [tilespmem:v0+s14+$0xFFFFFFF0 ss:$0x1], $0xffff;
	s31 =	sadd.s32 $0x800, s15;
	[tilespmem:s15+$0x20] =	vst v6  }
0x38: {  	v61 =	vld.idx.msk [tilespmem:v0+s14+$0x0 ss:$0x1], $0xffff;
	[tilespmem:s31+$0x30] =	vst v56  }
0x39: {  	v62 =	vld.idx.msk [tilespmem:v0+s14+$0x10 ss:$0x1], $0xffff;
	s13 =	sadd.s32 $0x1, s13;
	[tilespmem:s31+$0xFFFFFFC0] =	vst v57  }
0x3a: {  	v63 =	vld.idx.msk [tilespmem:v0+s14+$0x20 ss:$0x1], $0xffff;
	p1 =	sne.s32 s13, $0x10;
	[tilespmem:s31+$0xFFFFFFD0] =	vst v58  }
.Ltmp4:
0x3b: {  	[tilespmem:s31+$0xFFFFFFE0] =	vst v59;
	(pc) =	sbr.rel @p1 .LBB1_3-.Ltmp4, $4  }
0x3c: {  	[tilespmem:s31+$0xFFFFFFF0] =	vst v60  }
0x3d: {  	[tilespmem:s31+$0x0] =	vst v61  }
0x3e: {  	[tilespmem:s31+$0x10] =	vst v62  }
0x3f: {  	s10 =	sadd.s32 $0x80, s10;
	s11 =	sadd.s32 $0x400, s11;
	[tilespmem:s31+$0x20] =	vst v63  }
.Ltmp5:
0x40: {  	(pc) =	sbr.rel .LBB1_7-.Ltmp5, $4  }
0x41: {  	_ = 	snop  }
0x42: {  	s9 =	sshll.u32 s9, $0xB  }
0x43: {  	s9 =	sadd.s32 s3, s9  }
0x44: {  	[hbm4b:s9+s6] =	stream.linear.scatter [tilespmem:s12], [sflag:$0x2], $0x4000, $0x38;
	[tilespmem:$0x10000] =	vst v63  }
.LBB1_8:
0x45: {  	_ =	sfence.sel $0x180000  }
0x46: {  	s2 =	simm.s32 $0x1;
	[bflag:$0x0] =	sbarrier.arrive $0xFFFF  }
0x47: {  	s31 =	simm.s32 $0x2;
	[sflag:s2] =	ssyncpa.u1 $0x1  }
0x48: {  	[sflag:s31] =	ssyncpa.u1 $0x1  }
0x49: {  	p0 =	sne.s32 s1, $0x0;
	_ =	strace $0x90000047  }
0x4a: {  	s0 =	sadd.s32 @!p0 $0x100000, s0;
	[bflag:$0x2] =	sbarrier.arrive $0xFFFF  }
0x4b: {  	[sflag:s0] =	ssyncadd.tile.s32 @!p0 $0x1;
	_ =	shalt  }
.Lfunc_end1:
_tile_overlayer_lowered:
.L_overlay_start_2:
0x4c: {  	(tag) =	ssettag $0x2  }
0x4d: {  	s0 =	rddreg [dreg:$0x0];
	s2 =	stileid.u32  }
0x4e: {  	s1 =	rddreg [dreg:$0x1];
	p0 =	sne.s32 s2, $0x0  }
0x4f: {  	s3 =	rddreg [dreg:$0x2];
	[bflag:$0x3] =	sbarrier.arrive $0xFFFF;
	s2 =	simm.s32 @!p0 $0x1C01  }
0x50: {  	[timem:s3], [sflag:s2] =	dma.local @!p0 [hbm:s0], s1  }
0x51: {  	s0 =	simm.s32 @!p0 $0x1  }
0x52: {  	_ =	swait.ge @!p0 [sflag:s0], s1  }
0x53: {  	s1 =	ssub.s32 @!p0 $0x0, s1;
	[sflag:s0] =	ssyncset.done @!p0 $0x0  }
0x54: {  	[sflag:s0] =	ssyncadd.s32 @!p0 s1  }
0x55: {  	[bflag:$0x3] =	sbarrier.arrive $0xFFFF  }
0x56: {  	_ =	shalt  }

</sc_bundles>
